<compile_context>
chip_gen: v7x
topology: tpu7x:2x2x1
jax: 0.10.2.dev20260603
libtpu: 0.0.44.dev20260713+nightly
codegen_flags: <defaults>
</compile_context>

<pallas_src>
import functools

import jax
import jax.numpy as jnp
from jax import lax
from jax.experimental import pallas as pl
from jax.experimental.pallas import tpu as pltpu
from jax.experimental.pallas import tpu_sc as plsc

_SHAPE = (64, 32768)
_N = _SHAPE[0] * _SHAPE[1]
_K = int(0.1 * _N)
_NBINS = 32768
_NW = 32
_ROWS_PER_W = _SHAPE[0] // _NW
_ROW_ITERS = _SHAPE[1] // 16


@functools.cache
def _make_hist_kernel():
    mesh = plsc.VectorSubcoreMesh(core_axis_name="c", subcore_axis_name="s")

    @functools.partial(
        pl.kernel,
        mesh=mesh,
        compiler_params=pltpu.CompilerParams(
            needs_layout_passes=False, use_tc_tiling_on_sc=False),
        out_type=jax.ShapeDtypeStruct((_NW, _NBINS), jnp.int32),
        scratch_types=[
            pltpu.VMEM((_ROWS_PER_W, _SHAPE[1]), jnp.float32),
            pltpu.VMEM((_NBINS,), jnp.int32),
        ],
    )
    def _hist_kernel(x_hbm, out_hbm, data_v, hist_v):
        cid = lax.axis_index("c")
        sid = lax.axis_index("s")
        wid = sid * 2 + cid
        pltpu.sync_copy(x_hbm.at[pl.ds(wid * _ROWS_PER_W, _ROWS_PER_W)],
                        data_v)
        zeros = jnp.zeros((16,), jnp.int32)
        ones = jnp.full((16,), 1, jnp.int32)

        @plsc.parallel_loop(0, _NBINS // 16, step=8, unroll=8)
        def _(i):
            for j in range(8):
                hist_v[pl.ds((i + j) * 16, 16)] = zeros

        for r in range(_ROWS_PER_W):
            @plsc.parallel_loop(0, _ROW_ITERS, step=8, unroll=8)
            def _(i, r=r):
                base_i = i * 16
                for j in range(8):
                    v = data_v[r, pl.ds(base_i + j * 16, 16)]
                    u = plsc.bitcast(v, jnp.int32) & jnp.int32(0x7FFFFFFF)
                    plsc.addupdate_scatter(
                        hist_v, [lax.shift_right_logical(u, 16)], ones)

        pltpu.sync_copy(hist_v, out_hbm.at[wid])

    return _hist_kernel


def _finish_body(p_ref, x_ref, o_ref):
    h = jnp.sum(p_ref[...], axis=0, keepdims=True)
    binid = lax.broadcasted_iota(jnp.int32, (1, _NBINS), 1)
    xf = x_ref[...]
    u = lax.bitcast_convert_type(xf, jnp.int32) & jnp.int32(0x7FFFFFFF)

    def hist_step(i, b):
        cand = b | (jnp.int32(1) << (jnp.int32(14) - i))
        cnt = jnp.sum(jnp.where(binid >= cand, h, 0))
        return jnp.where(cnt >= _K, cand, b)

    b = lax.fori_loop(0, 15, hist_step, jnp.int32(0))

    def data_step(i, t):
        cand = t | (jnp.int32(1) << (jnp.int32(15) - i))
        cnt = jnp.sum((u >= cand).astype(jnp.int32))
        return jnp.where(cnt >= _K, cand, t)

    t = lax.fori_loop(0, 16, data_step, lax.shift_left(b, 16))
    o_ref[...] = jnp.where(u >= t, xf, 0.0)


def kernel(x):
    hist = _make_hist_kernel()
    partials = hist(x)
    return pl.pallas_call(
        _finish_body,
        out_shape=jax.ShapeDtypeStruct(_SHAPE, jnp.float32),
    )(partials, x)

# --- scband reference (transcript-rebuilt; emitter-appended) ---
"""Pipeline reference for scband-topk-layer-21388937134847 (READ-ONLY COPY).

The authoritative reference and input builder live on the scoring server;
editing this copy changes nothing except your own understanding.
"""

import jax, jax.numpy as jnp
import numpy as np

RATIO = 0.1
SHAPE = (64, 32768)

def setup_inputs(seed: int = 0) -> dict:
    key = jax.random.key(seed)
    x = jax.random.normal(key, SHAPE, dtype=jnp.float32)
    return {"x": x}

def reference(x):
    shape = x.shape
    flat = x.reshape(-1)
    k = int(RATIO * flat.shape[0])
    _, index = jax.lax.top_k(jnp.abs(flat), k)
    mask = jnp.zeros(flat.shape, dtype=flat.dtype).at[index].set(1.0)
    out = flat * mask
    out = out.reshape(shape)
    return out * 1.0

if __name__ == "__main__":
    import jax
    _d = setup_inputs()
    print(jax.jit(kernel)(*tuple(_d.values())))

</pallas_src>

<mosaic_0001>
#map = affine_map<(d0, d1) -> (0, 0)>
module attributes {stable_mosaic.version = 14 : i64} {
  func.func @_hist_kernel(%arg0: i32, %arg1: i32, %arg2: memref<64x32768xf32, #tpu.memory_space<hbm>>, %arg3: memref<32x32768xi32, #tpu.memory_space<hbm>>, %arg4: memref<2x32768xf32, #tpu.memory_space<vmem>>, %arg5: memref<32768xi32, #tpu.memory_space<vmem>>) attributes {dimension_semantics = [#tpu.dimension_semantics<core_parallel>, #tpu.dimension_semantics<subcore_parallel>], iteration_bounds = array<i64: 2, 16>, scalar_prefetch = 0 : i64, scratch_operands = 2 : i64, tpu.core_type = #tpu.core_type<sc_vector_subcore>, window_params = [{transform_indices = #map}, {transform_indices = #map}]} {
    %mul3A = arith.constant 2 : i32
    %mul3A_0 = arith.muli %arg1, %mul3A : i32
    %add3A = arith.addi %mul3A_0, %arg0 : i32
    %mul3A_1 = arith.constant 2 : i32
    %mul3A_2 = arith.muli %add3A, %mul3A_1 : i32
    "tpu.region"() ({
      %run_scoped3A = tpu.sem_alloc : memref<!tpu.dma_semaphore, #tpu.memory_space<semaphore_mem>>
      %dma_start3A = arith.constant 0 : i32
      %dma_start3A_14 = tpu.memref_slice %arg2[%mul3A_2, %dma_start3A] : memref<64x32768xf32, #tpu.memory_space<hbm>> -> memref<2x32768xf32, #tpu.memory_space<hbm>>
      %dma_start3A_15 = arith.constant 0 : i32
      %dma_start3A_16 = tpu.memref_slice %arg2[%mul3A_2, %dma_start3A_15] : memref<64x32768xf32, #tpu.memory_space<hbm>> -> memref<2x32768xf32, #tpu.memory_space<hbm>>
      tpu.enqueue_dma source(%dma_start3A_16 : memref<2x32768xf32, #tpu.memory_space<hbm>>) target(%arg4 : memref<2x32768xf32, #tpu.memory_space<vmem>>) target_semaphore(%run_scoped3A : memref<!tpu.dma_semaphore, #tpu.memory_space<semaphore_mem>>)
      %dma_wait3A = arith.constant 0 : i32
      %dma_wait3A_17 = tpu.memref_slice %arg2[%mul3A_2, %dma_wait3A] : memref<64x32768xf32, #tpu.memory_space<hbm>> -> memref<2x32768xf32, #tpu.memory_space<hbm>>
      %dma_wait3A_18 = arith.constant 0 : i32
      %dma_wait3A_19 = tpu.memref_slice %arg2[%mul3A_2, %dma_wait3A_18] : memref<64x32768xf32, #tpu.memory_space<hbm>> -> memref<2x32768xf32, #tpu.memory_space<hbm>>
      tpu.wait_dma2 semaphore(%run_scoped3A : memref<!tpu.dma_semaphore, #tpu.memory_space<semaphore_mem>>) src(%dma_wait3A_19 : memref<2x32768xf32, #tpu.memory_space<hbm>>) dst(%arg4 : memref<2x32768xf32, #tpu.memory_space<vmem>>)
      tpu.yield
    }) : () -> ()
    %broadcast_in_dim3A = arith.constant 0 : i32
    %broadcast_in_dim3A_3 = vector.broadcast %broadcast_in_dim3A : i32 to vector<16xi32>
    %broadcast_in_dim3A_4 = arith.constant 1 : i32
    %broadcast_in_dim3A_5 = vector.broadcast %broadcast_in_dim3A_4 : i32 to vector<16xi32>
    %parallel_loop3A = arith.constant 0 : i32
    %parallel_loop3A_6 = arith.constant 2048 : i32
    %parallel_loop3A_7 = arith.constant 8 : i32
    scf.for %parallel_loop3A_14 = %parallel_loop3A to %parallel_loop3A_6 step %parallel_loop3A_7  : i32 {
      %parallel_loop3A_15 = arith.constant 0 : i32
      %parallel_loop3A_16 = arith.addi %parallel_loop3A_14, %parallel_loop3A_15 : i32
      %parallel_loop3A_17 = arith.constant 16 : i32
      %parallel_loop3A_18 = arith.muli %parallel_loop3A_16, %parallel_loop3A_17 : i32
      %parallel_loop3A_19 = arith.index_cast %parallel_loop3A_18 : i32 to index
      %parallel_loop3A_20 = tpu.vector_load %arg5[%parallel_loop3A_19] {strides = array<i32>} : memref<32768xi32, #tpu.memory_space<vmem>>, vector<16xi32>,
      tpu.vector_store %arg5[%parallel_loop3A_19], %broadcast_in_dim3A_3 {strides = array<i32>} : memref<32768xi32, #tpu.memory_space<vmem>>, vector<16xi32>,
      %parallel_loop3A_21 = arith.constant 1 : i32
      %parallel_loop3A_22 = arith.addi %parallel_loop3A_14, %parallel_loop3A_21 : i32
      %parallel_loop3A_23 = arith.constant 16 : i32
      %parallel_loop3A_24 = arith.muli %parallel_loop3A_22, %parallel_loop3A_23 : i32
      %parallel_loop3A_25 = arith.index_cast %parallel_loop3A_24 : i32 to index
      %parallel_loop3A_26 = tpu.vector_load %arg5[%parallel_loop3A_25] {strides = array<i32>} : memref<32768xi32, #tpu.memory_space<vmem>>, vector<16xi32>,
      tpu.vector_store %arg5[%parallel_loop3A_25], %broadcast_in_dim3A_3 {strides = array<i32>} : memref<32768xi32, #tpu.memory_space<vmem>>, vector<16xi32>,
      %parallel_loop3A_27 = arith.constant 2 : i32
      %parallel_loop3A_28 = arith.addi %parallel_loop3A_14, %parallel_loop3A_27 : i32
      %parallel_loop3A_29 = arith.constant 16 : i32
      %parallel_loop3A_30 = arith.muli %parallel_loop3A_28, %parallel_loop3A_29 : i32
      %parallel_loop3A_31 = arith.index_cast %parallel_loop3A_30 : i32 to index
      %parallel_loop3A_32 = tpu.vector_load %arg5[%parallel_loop3A_31] {strides = array<i32>} : memref<32768xi32, #tpu.memory_space<vmem>>, vector<16xi32>,
      tpu.vector_store %arg5[%parallel_loop3A_31], %broadcast_in_dim3A_3 {strides = array<i32>} : memref<32768xi32, #tpu.memory_space<vmem>>, vector<16xi32>,
      %parallel_loop3A_33 = arith.constant 3 : i32
      %parallel_loop3A_34 = arith.addi %parallel_loop3A_14, %parallel_loop3A_33 : i32
      %parallel_loop3A_35 = arith.constant 16 : i32
      %parallel_loop3A_36 = arith.muli %parallel_loop3A_34, %parallel_loop3A_35 : i32
      %parallel_loop3A_37 = arith.index_cast %parallel_loop3A_36 : i32 to index
      %parallel_loop3A_38 = tpu.vector_load %arg5[%parallel_loop3A_37] {strides = array<i32>} : memref<32768xi32, #tpu.memory_space<vmem>>, vector<16xi32>,
      tpu.vector_store %arg5[%parallel_loop3A_37], %broadcast_in_dim3A_3 {strides = array<i32>} : memref<32768xi32, #tpu.memory_space<vmem>>, vector<16xi32>,
      %parallel_loop3A_39 = arith.constant 4 : i32
      %parallel_loop3A_40 = arith.addi %parallel_loop3A_14, %parallel_loop3A_39 : i32
      %parallel_loop3A_41 = arith.constant 16 : i32
      %parallel_loop3A_42 = arith.muli %parallel_loop3A_40, %parallel_loop3A_41 : i32
      %parallel_loop3A_43 = arith.index_cast %parallel_loop3A_42 : i32 to index
      %parallel_loop3A_44 = tpu.vector_load %arg5[%parallel_loop3A_43] {strides = array<i32>} : memref<32768xi32, #tpu.memory_space<vmem>>, vector<16xi32>,
      tpu.vector_store %arg5[%parallel_loop3A_43], %broadcast_in_dim3A_3 {strides = array<i32>} : memref<32768xi32, #tpu.memory_space<vmem>>, vector<16xi32>,
      %parallel_loop3A_45 = arith.constant 5 : i32
      %parallel_loop3A_46 = arith.addi %parallel_loop3A_14, %parallel_loop3A_45 : i32
      %parallel_loop3A_47 = arith.constant 16 : i32
      %parallel_loop3A_48 = arith.muli %parallel_loop3A_46, %parallel_loop3A_47 : i32
      %parallel_loop3A_49 = arith.index_cast %parallel_loop3A_48 : i32 to index
      %parallel_loop3A_50 = tpu.vector_load %arg5[%parallel_loop3A_49] {strides = array<i32>} : memref<32768xi32, #tpu.memory_space<vmem>>, vector<16xi32>,
      tpu.vector_store %arg5[%parallel_loop3A_49], %broadcast_in_dim3A_3 {strides = array<i32>} : memref<32768xi32, #tpu.memory_space<vmem>>, vector<16xi32>,
      %parallel_loop3A_51 = arith.constant 6 : i32
      %parallel_loop3A_52 = arith.addi %parallel_loop3A_14, %parallel_loop3A_51 : i32
      %parallel_loop3A_53 = arith.constant 16 : i32
      %parallel_loop3A_54 = arith.muli %parallel_loop3A_52, %parallel_loop3A_53 : i32
      %parallel_loop3A_55 = arith.index_cast %parallel_loop3A_54 : i32 to index
      %parallel_loop3A_56 = tpu.vector_load %arg5[%parallel_loop3A_55] {strides = array<i32>} : memref<32768xi32, #tpu.memory_space<vmem>>, vector<16xi32>,
      tpu.vector_store %arg5[%parallel_loop3A_55], %broadcast_in_dim3A_3 {strides = array<i32>} : memref<32768xi32, #tpu.memory_space<vmem>>, vector<16xi32>,
      %parallel_loop3A_57 = arith.constant 7 : i32
      %parallel_loop3A_58 = arith.addi %parallel_loop3A_14, %parallel_loop3A_57 : i32
      %parallel_loop3A_59 = arith.constant 16 : i32
      %parallel_loop3A_60 = arith.muli %parallel_loop3A_58, %parallel_loop3A_59 : i32
      %parallel_loop3A_61 = arith.index_cast %parallel_loop3A_60 : i32 to index
      %parallel_loop3A_62 = tpu.vector_load %arg5[%parallel_loop3A_61] {strides = array<i32>} : memref<32768xi32, #tpu.memory_space<vmem>>, vector<16xi32>,
      tpu.vector_store %arg5[%parallel_loop3A_61], %broadcast_in_dim3A_3 {strides = array<i32>} : memref<32768xi32, #tpu.memory_space<vmem>>, vector<16xi32>,
    } {sc.loop_unroll_factor = 8 : i64, sc.parallel_access}
    %parallel_loop3A_8 = arith.constant 0 : i32
    %parallel_loop3A_9 = arith.constant 2048 : i32
    %parallel_loop3A_10 = arith.constant 8 : i32
    scf.for %parallel_loop3A_14 = %parallel_loop3A_8 to %parallel_loop3A_9 step %parallel_loop3A_10  : i32 {
      %parallel_loop3A_15 = arith.constant 16 : i32
      %parallel_loop3A_16 = arith.muli %parallel_loop3A_14, %parallel_loop3A_15 : i32
      %parallel_loop3A_17 = arith.constant 0 : i32
      %parallel_loop3A_18 = arith.addi %parallel_loop3A_16, %parallel_loop3A_17 : i32
      %parallel_loop3A_19 = arith.constant 0 : i32
      %parallel_loop3A_20 = arith.index_cast %parallel_loop3A_19 : i32 to index
      %parallel_loop3A_21 = arith.index_cast %parallel_loop3A_18 : i32 to index
      %parallel_loop3A_22 = tpu.vector_load %arg4[%parallel_loop3A_20, %parallel_loop3A_21] {strides = array<i32>} : memref<2x32768xf32, #tpu.memory_space<vmem>>, vector<16xf32>,
      %parallel_loop3A_23 = vector.bitcast %parallel_loop3A_22 : vector<16xf32> to vector<16xi32>
      %parallel_loop3A_24 = arith.constant 2147483647 : i32
      %parallel_loop3A_25 = vector.broadcast %parallel_loop3A_24 : i32 to vector<16xi32>
      %parallel_loop3A_26 = arith.andi %parallel_loop3A_23, %parallel_loop3A_25 : vector<16xi32>
      %parallel_loop3A_27 = arith.constant 16 : i32
      %parallel_loop3A_28 = vector.broadcast %parallel_loop3A_27 : i32 to vector<16xi32>
      %parallel_loop3A_29 = arith.shrui %parallel_loop3A_26, %parallel_loop3A_28 : vector<16xi32>
      tpu.vector_store_idx %arg5[%parallel_loop3A_29], %broadcast_in_dim3A_5 {add = true} : memref<32768xi32, #tpu.memory_space<vmem>>[vector<16xi32>], vector<16xi32>,
      %parallel_loop3A_30 = arith.constant 16 : i32
      %parallel_loop3A_31 = arith.addi %parallel_loop3A_16, %parallel_loop3A_30 : i32
      %parallel_loop3A_32 = arith.constant 0 : i32
      %parallel_loop3A_33 = arith.index_cast %parallel_loop3A_32 : i32 to index
      %parallel_loop3A_34 = arith.index_cast %parallel_loop3A_31 : i32 to index
      %parallel_loop3A_35 = tpu.vector_load %arg4[%parallel_loop3A_33, %parallel_loop3A_34] {strides = array<i32>} : memref<2x32768xf32, #tpu.memory_space<vmem>>, vector<16xf32>,
      %parallel_loop3A_36 = vector.bitcast %parallel_loop3A_35 : vector<16xf32> to vector<16xi32>
      %parallel_loop3A_37 = arith.constant 2147483647 : i32
      %parallel_loop3A_38 = vector.broadcast %parallel_loop3A_37 : i32 to vector<16xi32>
      %parallel_loop3A_39 = arith.andi %parallel_loop3A_36, %parallel_loop3A_38 : vector<16xi32>
      %parallel_loop3A_40 = arith.constant 16 : i32
      %parallel_loop3A_41 = vector.broadcast %parallel_loop3A_40 : i32 to vector<16xi32>
      %parallel_loop3A_42 = arith.shrui %parallel_loop3A_39, %parallel_loop3A_41 : vector<16xi32>
      tpu.vector_store_idx %arg5[%parallel_loop3A_42], %broadcast_in_dim3A_5 {add = true} : memref<32768xi32, #tpu.memory_space<vmem>>[vector<16xi32>], vector<16xi32>,
      %parallel_loop3A_43 = arith.constant 32 : i32
      %parallel_loop3A_44 = arith.addi %parallel_loop3A_16, %parallel_loop3A_43 : i32
      %parallel_loop3A_45 = arith.constant 0 : i32
      %parallel_loop3A_46 = arith.index_cast %parallel_loop3A_45 : i32 to index
      %parallel_loop3A_47 = arith.index_cast %parallel_loop3A_44 : i32 to index
      %parallel_loop3A_48 = tpu.vector_load %arg4[%parallel_loop3A_46, %parallel_loop3A_47] {strides = array<i32>} : memref<2x32768xf32, #tpu.memory_space<vmem>>, vector<16xf32>,
      %parallel_loop3A_49 = vector.bitcast %parallel_loop3A_48 : vector<16xf32> to vector<16xi32>
      %parallel_loop3A_50 = arith.constant 2147483647 : i32
      %parallel_loop3A_51 = vector.broadcast %parallel_loop3A_50 : i32 to vector<16xi32>
      %parallel_loop3A_52 = arith.andi %parallel_loop3A_49, %parallel_loop3A_51 : vector<16xi32>
      %parallel_loop3A_53 = arith.constant 16 : i32
      %parallel_loop3A_54 = vector.broadcast %parallel_loop3A_53 : i32 to vector<16xi32>
      %parallel_loop3A_55 = arith.shrui %parallel_loop3A_52, %parallel_loop3A_54 : vector<16xi32>
      tpu.vector_store_idx %arg5[%parallel_loop3A_55], %broadcast_in_dim3A_5 {add = true} : memref<32768xi32, #tpu.memory_space<vmem>>[vector<16xi32>], vector<16xi32>,
      %parallel_loop3A_56 = arith.constant 48 : i32
      %parallel_loop3A_57 = arith.addi %parallel_loop3A_16, %parallel_loop3A_56 : i32
      %parallel_loop3A_58 = arith.constant 0 : i32
      %parallel_loop3A_59 = arith.index_cast %parallel_loop3A_58 : i32 to index
      %parallel_loop3A_60 = arith.index_cast %parallel_loop3A_57 : i32 to index
      %parallel_loop3A_61 = tpu.vector_load %arg4[%parallel_loop3A_59, %parallel_loop3A_60] {strides = array<i32>} : memref<2x32768xf32, #tpu.memory_space<vmem>>, vector<16xf32>,
      %parallel_loop3A_62 = vector.bitcast %parallel_loop3A_61 : vector<16xf32> to vector<16xi32>
      %parallel_loop3A_63 = arith.constant 2147483647 : i32
      %parallel_loop3A_64 = vector.broadcast %parallel_loop3A_63 : i32 to vector<16xi32>
      %parallel_loop3A_65 = arith.andi %parallel_loop3A_62, %parallel_loop3A_64 : vector<16xi32>
      %parallel_loop3A_66 = arith.constant 16 : i32
      %parallel_loop3A_67 = vector.broadcast %parallel_loop3A_66 : i32 to vector<16xi32>
      %parallel_loop3A_68 = arith.shrui %parallel_loop3A_65, %parallel_loop3A_67 : vector<16xi32>
      tpu.vector_store_idx %arg5[%parallel_loop3A_68], %broadcast_in_dim3A_5 {add = true} : memref<32768xi32, #tpu.memory_space<vmem>>[vector<16xi32>], vector<16xi32>,
      %parallel_loop3A_69 = arith.constant 64 : i32
      %parallel_loop3A_70 = arith.addi %parallel_loop3A_16, %parallel_loop3A_69 : i32
      %parallel_loop3A_71 = arith.constant 0 : i32
      %parallel_loop3A_72 = arith.index_cast %parallel_loop3A_71 : i32 to index
      %parallel_loop3A_73 = arith.index_cast %parallel_loop3A_70 : i32 to index
      %parallel_loop3A_74 = tpu.vector_load %arg4[%parallel_loop3A_72, %parallel_loop3A_73] {strides = array<i32>} : memref<2x32768xf32, #tpu.memory_space<vmem>>, vector<16xf32>,
      %parallel_loop3A_75 = vector.bitcast %parallel_loop3A_74 : vector<16xf32> to vector<16xi32>
      %parallel_loop3A_76 = arith.constant 2147483647 : i32
      %parallel_loop3A_77 = vector.broadcast %parallel_loop3A_76 : i32 to vector<16xi32>
      %parallel_loop3A_78 = arith.andi %parallel_loop3A_75, %parallel_loop3A_77 : vector<16xi32>
      %parallel_loop3A_79 = arith.constant 16 : i32
      %parallel_loop3A_80 = vector.broadcast %parallel_loop3A_79 : i32 to vector<16xi32>
      %parallel_loop3A_81 = arith.shrui %parallel_loop3A_78, %parallel_loop3A_80 : vector<16xi32>
      tpu.vector_store_idx %arg5[%parallel_loop3A_81], %broadcast_in_dim3A_5 {add = true} : memref<32768xi32, #tpu.memory_space<vmem>>[vector<16xi32>], vector<16xi32>,
      %parallel_loop3A_82 = arith.constant 80 : i32
      %parallel_loop3A_83 = arith.addi %parallel_loop3A_16, %parallel_loop3A_82 : i32
      %parallel_loop3A_84 = arith.constant 0 : i32
      %parallel_loop3A_85 = arith.index_cast %parallel_loop3A_84 : i32 to index
      %parallel_loop3A_86 = arith.index_cast %parallel_loop3A_83 : i32 to index
      %parallel_loop3A_87 = tpu.vector_load %arg4[%parallel_loop3A_85, %parallel_loop3A_86] {strides = array<i32>} : memref<2x32768xf32, #tpu.memory_space<vmem>>, vector<16xf32>,
      %parallel_loop3A_88 = vector.bitcast %parallel_loop3A_87 : vector<16xf32> to vector<16xi32>
      %parallel_loop3A_89 = arith.constant 2147483647 : i32
      %parallel_loop3A_90 = vector.broadcast %parallel_loop3A_89 : i32 to vector<16xi32>
      %parallel_loop3A_91 = arith.andi %parallel_loop3A_88, %parallel_loop3A_90 : vector<16xi32>
      %parallel_loop3A_92 = arith.constant 16 : i32
      %parallel_loop3A_93 = vector.broadcast %parallel_loop3A_92 : i32 to vector<16xi32>
      %parallel_loop3A_94 = arith.shrui %parallel_loop3A_91, %parallel_loop3A_93 : vector<16xi32>
      tpu.vector_store_idx %arg5[%parallel_loop3A_94], %broadcast_in_dim3A_5 {add = true} : memref<32768xi32, #tpu.memory_space<vmem>>[vector<16xi32>], vector<16xi32>,
      %parallel_loop3A_95 = arith.constant 96 : i32
      %parallel_loop3A_96 = arith.addi %parallel_loop3A_16, %parallel_loop3A_95 : i32
      %parallel_loop3A_97 = arith.constant 0 : i32
      %parallel_loop3A_98 = arith.index_cast %parallel_loop3A_97 : i32 to index
      %parallel_loop3A_99 = arith.index_cast %parallel_loop3A_96 : i32 to index
      %parallel_loop3A_100 = tpu.vector_load %arg4[%parallel_loop3A_98, %parallel_loop3A_99] {strides = array<i32>} : memref<2x32768xf32, #tpu.memory_space<vmem>>, vector<16xf32>,
      %parallel_loop3A_101 = vector.bitcast %parallel_loop3A_100 : vector<16xf32> to vector<16xi32>
      %parallel_loop3A_102 = arith.constant 2147483647 : i32
      %parallel_loop3A_103 = vector.broadcast %parallel_loop3A_102 : i32 to vector<16xi32>
      %parallel_loop3A_104 = arith.andi %parallel_loop3A_101, %parallel_loop3A_103 : vector<16xi32>
      %parallel_loop3A_105 = arith.constant 16 : i32
      %parallel_loop3A_106 = vector.broadcast %parallel_loop3A_105 : i32 to vector<16xi32>
      %parallel_loop3A_107 = arith.shrui %parallel_loop3A_104, %parallel_loop3A_106 : vector<16xi32>
      tpu.vector_store_idx %arg5[%parallel_loop3A_107], %broadcast_in_dim3A_5 {add = true} : memref<32768xi32, #tpu.memory_space<vmem>>[vector<16xi32>], vector<16xi32>,
      %parallel_loop3A_108 = arith.constant 112 : i32
      %parallel_loop3A_109 = arith.addi %parallel_loop3A_16, %parallel_loop3A_108 : i32
      %parallel_loop3A_110 = arith.constant 0 : i32
      %parallel_loop3A_111 = arith.index_cast %parallel_loop3A_110 : i32 to index
      %parallel_loop3A_112 = arith.index_cast %parallel_loop3A_109 : i32 to index
      %parallel_loop3A_113 = tpu.vector_load %arg4[%parallel_loop3A_111, %parallel_loop3A_112] {strides = array<i32>} : memref<2x32768xf32, #tpu.memory_space<vmem>>, vector<16xf32>,
      %parallel_loop3A_114 = vector.bitcast %parallel_loop3A_113 : vector<16xf32> to vector<16xi32>
      %parallel_loop3A_115 = arith.constant 2147483647 : i32
      %parallel_loop3A_116 = vector.broadcast %parallel_loop3A_115 : i32 to vector<16xi32>
      %parallel_loop3A_117 = arith.andi %parallel_loop3A_114, %parallel_loop3A_116 : vector<16xi32>
      %parallel_loop3A_118 = arith.constant 16 : i32
      %parallel_loop3A_119 = vector.broadcast %parallel_loop3A_118 : i32 to vector<16xi32>
      %parallel_loop3A_120 = arith.shrui %parallel_loop3A_117, %parallel_loop3A_119 : vector<16xi32>
      tpu.vector_store_idx %arg5[%parallel_loop3A_120], %broadcast_in_dim3A_5 {add = true} : memref<32768xi32, #tpu.memory_space<vmem>>[vector<16xi32>], vector<16xi32>,
    } {sc.loop_unroll_factor = 8 : i64, sc.parallel_access}
    %parallel_loop3A_11 = arith.constant 0 : i32
    %parallel_loop3A_12 = arith.constant 2048 : i32
    %parallel_loop3A_13 = arith.constant 8 : i32
    scf.for %parallel_loop3A_14 = %parallel_loop3A_11 to %parallel_loop3A_12 step %parallel_loop3A_13  : i32 {
      %parallel_loop3A_15 = arith.constant 16 : i32
      %parallel_loop3A_16 = arith.muli %parallel_loop3A_14, %parallel_loop3A_15 : i32
      %parallel_loop3A_17 = arith.constant 0 : i32
      %parallel_loop3A_18 = arith.addi %parallel_loop3A_16, %parallel_loop3A_17 : i32
      %parallel_loop3A_19 = arith.constant 1 : i32
      %parallel_loop3A_20 = arith.index_cast %parallel_loop3A_19 : i32 to index
      %parallel_loop3A_21 = arith.index_cast %parallel_loop3A_18 : i32 to index
      %parallel_loop3A_22 = tpu.vector_load %arg4[%parallel_loop3A_20, %parallel_loop3A_21] {strides = array<i32>} : memref<2x32768xf32, #tpu.memory_space<vmem>>, vector<16xf32>,
      %parallel_loop3A_23 = vector.bitcast %parallel_loop3A_22 : vector<16xf32> to vector<16xi32>
      %parallel_loop3A_24 = arith.constant 2147483647 : i32
      %parallel_loop3A_25 = vector.broadcast %parallel_loop3A_24 : i32 to vector<16xi32>
      %parallel_loop3A_26 = arith.andi %parallel_loop3A_23, %parallel_loop3A_25 : vector<16xi32>
      %parallel_loop3A_27 = arith.constant 16 : i32
      %parallel_loop3A_28 = vector.broadcast %parallel_loop3A_27 : i32 to vector<16xi32>
      %parallel_loop3A_29 = arith.shrui %parallel_loop3A_26, %parallel_loop3A_28 : vector<16xi32>
      tpu.vector_store_idx %arg5[%parallel_loop3A_29], %broadcast_in_dim3A_5 {add = true} : memref<32768xi32, #tpu.memory_space<vmem>>[vector<16xi32>], vector<16xi32>,
      %parallel_loop3A_30 = arith.constant 16 : i32
      %parallel_loop3A_31 = arith.addi %parallel_loop3A_16, %parallel_loop3A_30 : i32
      %parallel_loop3A_32 = arith.constant 1 : i32
      %parallel_loop3A_33 = arith.index_cast %parallel_loop3A_32 : i32 to index
      %parallel_loop3A_34 = arith.index_cast %parallel_loop3A_31 : i32 to index
      %parallel_loop3A_35 = tpu.vector_load %arg4[%parallel_loop3A_33, %parallel_loop3A_34] {strides = array<i32>} : memref<2x32768xf32, #tpu.memory_space<vmem>>, vector<16xf32>,
      %parallel_loop3A_36 = vector.bitcast %parallel_loop3A_35 : vector<16xf32> to vector<16xi32>
      %parallel_loop3A_37 = arith.constant 2147483647 : i32
      %parallel_loop3A_38 = vector.broadcast %parallel_loop3A_37 : i32 to vector<16xi32>
      %parallel_loop3A_39 = arith.andi %parallel_loop3A_36, %parallel_loop3A_38 : vector<16xi32>
      %parallel_loop3A_40 = arith.constant 16 : i32
      %parallel_loop3A_41 = vector.broadcast %parallel_loop3A_40 : i32 to vector<16xi32>
      %parallel_loop3A_42 = arith.shrui %parallel_loop3A_39, %parallel_loop3A_41 : vector<16xi32>
      tpu.vector_store_idx %arg5[%parallel_loop3A_42], %broadcast_in_dim3A_5 {add = true} : memref<32768xi32, #tpu.memory_space<vmem>>[vector<16xi32>], vector<16xi32>,
      %parallel_loop3A_43 = arith.constant 32 : i32
      %parallel_loop3A_44 = arith.addi %parallel_loop3A_16, %parallel_loop3A_43 : i32
      %parallel_loop3A_45 = arith.constant 1 : i32
      %parallel_loop3A_46 = arith.index_cast %parallel_loop3A_45 : i32 to index
      %parallel_loop3A_47 = arith.index_cast %parallel_loop3A_44 : i32 to index
      %parallel_loop3A_48 = tpu.vector_load %arg4[%parallel_loop3A_46, %parallel_loop3A_47] {strides = array<i32>} : memref<2x32768xf32, #tpu.memory_space<vmem>>, vector<16xf32>,
      %parallel_loop3A_49 = vector.bitcast %parallel_loop3A_48 : vector<16xf32> to vector<16xi32>
      %parallel_loop3A_50 = arith.constant 2147483647 : i32
      %parallel_loop3A_51 = vector.broadcast %parallel_loop3A_50 : i32 to vector<16xi32>
      %parallel_loop3A_52 = arith.andi %parallel_loop3A_49, %parallel_loop3A_51 : vector<16xi32>
      %parallel_loop3A_53 = arith.constant 16 : i32
      %parallel_loop3A_54 = vector.broadcast %parallel_loop3A_53 : i32 to vector<16xi32>
      %parallel_loop3A_55 = arith.shrui %parallel_loop3A_52, %parallel_loop3A_54 : vector<16xi32>
      tpu.vector_store_idx %arg5[%parallel_loop3A_55], %broadcast_in_dim3A_5 {add = true} : memref<32768xi32, #tpu.memory_space<vmem>>[vector<16xi32>], vector<16xi32>,
      %parallel_loop3A_56 = arith.constant 48 : i32
      %parallel_loop3A_57 = arith.addi %parallel_loop3A_16, %parallel_loop3A_56 : i32
      %parallel_loop3A_58 = arith.constant 1 : i32
      %parallel_loop3A_59 = arith.index_cast %parallel_loop3A_58 : i32 to index
      %parallel_loop3A_60 = arith.index_cast %parallel_loop3A_57 : i32 to index
      %parallel_loop3A_61 = tpu.vector_load %arg4[%parallel_loop3A_59, %parallel_loop3A_60] {strides = array<i32>} : memref<2x32768xf32, #tpu.memory_space<vmem>>, vector<16xf32>,
      %parallel_loop3A_62 = vector.bitcast %parallel_loop3A_61 : vector<16xf32> to vector<16xi32>
      %parallel_loop3A_63 = arith.constant 2147483647 : i32
      %parallel_loop3A_64 = vector.broadcast %parallel_loop3A_63 : i32 to vector<16xi32>
      %parallel_loop3A_65 = arith.andi %parallel_loop3A_62, %parallel_loop3A_64 : vector<16xi32>
      %parallel_loop3A_66 = arith.constant 16 : i32
      %parallel_loop3A_67 = vector.broadcast %parallel_loop3A_66 : i32 to vector<16xi32>
      %parallel_loop3A_68 = arith.shrui %parallel_loop3A_65, %parallel_loop3A_67 : vector<16xi32>
      tpu.vector_store_idx %arg5[%parallel_loop3A_68], %broadcast_in_dim3A_5 {add = true} : memref<32768xi32, #tpu.memory_space<vmem>>[vector<16xi32>], vector<16xi32>,
      %parallel_loop3A_69 = arith.constant 64 : i32
      %parallel_loop3A_70 = arith.addi %parallel_loop3A_16, %parallel_loop3A_69 : i32
      %parallel_loop3A_71 = arith.constant 1 : i32
      %parallel_loop3A_72 = arith.index_cast %parallel_loop3A_71 : i32 to index
      %parallel_loop3A_73 = arith.index_cast %parallel_loop3A_70 : i32 to index
      %parallel_loop3A_74 = tpu.vector_load %arg4[%parallel_loop3A_72, %parallel_loop3A_73] {strides = array<i32>} : memref<2x32768xf32, #tpu.memory_space<vmem>>, vector<16xf32>,
      %parallel_loop3A_75 = vector.bitcast %parallel_loop3A_74 : vector<16xf32> to vector<16xi32>
      %parallel_loop3A_76 = arith.constant 2147483647 : i32
      %parallel_loop3A_77 = vector.broadcast %parallel_loop3A_76 : i32 to vector<16xi32>
      %parallel_loop3A_78 = arith.andi %parallel_loop3A_75, %parallel_loop3A_77 : vector<16xi32>
      %parallel_loop3A_79 = arith.constant 16 : i32
      %parallel_loop3A_80 = vector.broadcast %parallel_loop3A_79 : i32 to vector<16xi32>
      %parallel_loop3A_81 = arith.shrui %parallel_loop3A_78, %parallel_loop3A_80 : vector<16xi32>
      tpu.vector_store_idx %arg5[%parallel_loop3A_81], %broadcast_in_dim3A_5 {add = true} : memref<32768xi32, #tpu.memory_space<vmem>>[vector<16xi32>], vector<16xi32>,
      %parallel_loop3A_82 = arith.constant 80 : i32
      %parallel_loop3A_83 = arith.addi %parallel_loop3A_16, %parallel_loop3A_82 : i32
      %parallel_loop3A_84 = arith.constant 1 : i32
      %parallel_loop3A_85 = arith.index_cast %parallel_loop3A_84 : i32 to index
      %parallel_loop3A_86 = arith.index_cast %parallel_loop3A_83 : i32 to index
      %parallel_loop3A_87 = tpu.vector_load %arg4[%parallel_loop3A_85, %parallel_loop3A_86] {strides = array<i32>} : memref<2x32768xf32, #tpu.memory_space<vmem>>, vector<16xf32>,
      %parallel_loop3A_88 = vector.bitcast %parallel_loop3A_87 : vector<16xf32> to vector<16xi32>
      %parallel_loop3A_89 = arith.constant 2147483647 : i32
      %parallel_loop3A_90 = vector.broadcast %parallel_loop3A_89 : i32 to vector<16xi32>
      %parallel_loop3A_91 = arith.andi %parallel_loop3A_88, %parallel_loop3A_90 : vector<16xi32>
      %parallel_loop3A_92 = arith.constant 16 : i32
      %parallel_loop3A_93 = vector.broadcast %parallel_loop3A_92 : i32 to vector<16xi32>
      %parallel_loop3A_94 = arith.shrui %parallel_loop3A_91, %parallel_loop3A_93 : vector<16xi32>
      tpu.vector_store_idx %arg5[%parallel_loop3A_94], %broadcast_in_dim3A_5 {add = true} : memref<32768xi32, #tpu.memory_space<vmem>>[vector<16xi32>], vector<16xi32>,
      %parallel_loop3A_95 = arith.constant 96 : i32
      %parallel_loop3A_96 = arith.addi %parallel_loop3A_16, %parallel_loop3A_95 : i32
      %parallel_loop3A_97 = arith.constant 1 : i32
      %parallel_loop3A_98 = arith.index_cast %parallel_loop3A_97 : i32 to index
      %parallel_loop3A_99 = arith.index_cast %parallel_loop3A_96 : i32 to index
      %parallel_loop3A_100 = tpu.vector_load %arg4[%parallel_loop3A_98, %parallel_loop3A_99] {strides = array<i32>} : memref<2x32768xf32, #tpu.memory_space<vmem>>, vector<16xf32>,
      %parallel_loop3A_101 = vector.bitcast %parallel_loop3A_100 : vector<16xf32> to vector<16xi32>
      %parallel_loop3A_102 = arith.constant 2147483647 : i32
      %parallel_loop3A_103 = vector.broadcast %parallel_loop3A_102 : i32 to vector<16xi32>
      %parallel_loop3A_104 = arith.andi %parallel_loop3A_101, %parallel_loop3A_103 : vector<16xi32>
      %parallel_loop3A_105 = arith.constant 16 : i32
      %parallel_loop3A_106 = vector.broadcast %parallel_loop3A_105 : i32 to vector<16xi32>
      %parallel_loop3A_107 = arith.shrui %parallel_loop3A_104, %parallel_loop3A_106 : vector<16xi32>
      tpu.vector_store_idx %arg5[%parallel_loop3A_107], %broadcast_in_dim3A_5 {add = true} : memref<32768xi32, #tpu.memory_space<vmem>>[vector<16xi32>], vector<16xi32>,
      %parallel_loop3A_108 = arith.constant 112 : i32
      %parallel_loop3A_109 = arith.addi %parallel_loop3A_16, %parallel_loop3A_108 : i32
      %parallel_loop3A_110 = arith.constant 1 : i32
      %parallel_loop3A_111 = arith.index_cast %parallel_loop3A_110 : i32 to index
      %parallel_loop3A_112 = arith.index_cast %parallel_loop3A_109 : i32 to index
      %parallel_loop3A_113 = tpu.vector_load %arg4[%parallel_loop3A_111, %parallel_loop3A_112] {strides = array<i32>} : memref<2x32768xf32, #tpu.memory_space<vmem>>, vector<16xf32>,
      %parallel_loop3A_114 = vector.bitcast %parallel_loop3A_113 : vector<16xf32> to vector<16xi32>
      %parallel_loop3A_115 = arith.constant 2147483647 : i32
      %parallel_loop3A_116 = vector.broadcast %parallel_loop3A_115 : i32 to vector<16xi32>
      %parallel_loop3A_117 = arith.andi %parallel_loop3A_114, %parallel_loop3A_116 : vector<16xi32>
      %parallel_loop3A_118 = arith.constant 16 : i32
      %parallel_loop3A_119 = vector.broadcast %parallel_loop3A_118 : i32 to vector<16xi32>
      %parallel_loop3A_120 = arith.shrui %parallel_loop3A_117, %parallel_loop3A_119 : vector<16xi32>
      tpu.vector_store_idx %arg5[%parallel_loop3A_120], %broadcast_in_dim3A_5 {add = true} : memref<32768xi32, #tpu.memory_space<vmem>>[vector<16xi32>], vector<16xi32>,
    } {sc.loop_unroll_factor = 8 : i64, sc.parallel_access}
    "tpu.region"() ({
      %run_scoped3A = tpu.sem_alloc : memref<!tpu.dma_semaphore, #tpu.memory_space<semaphore_mem>>
      %dma_start3A = arith.constant 0 : i32
      %dma_start3A_14 = tpu.memref_slice %arg3[%add3A, %dma_start3A] : memref<32x32768xi32, #tpu.memory_space<hbm>> -> memref<1x32768xi32, #tpu.memory_space<hbm>>
      %dma_start3A_15 = tpu.memref_squeeze %dma_start3A_14 : memref<1x32768xi32, #tpu.memory_space<hbm>> -> memref<32768xi32, #tpu.memory_space<hbm>>
      %dma_start3A_16 = arith.constant 0 : i32
      %dma_start3A_17 = tpu.memref_slice %arg3[%add3A, %dma_start3A_16] : memref<32x32768xi32, #tpu.memory_space<hbm>> -> memref<1x32768xi32, #tpu.memory_space<hbm>>
      %dma_start3A_18 = tpu.memref_squeeze %dma_start3A_17 : memref<1x32768xi32, #tpu.memory_space<hbm>> -> memref<32768xi32, #tpu.memory_space<hbm>>
      tpu.enqueue_dma source(%arg5 : memref<32768xi32, #tpu.memory_space<vmem>>) target(%dma_start3A_18 : memref<32768xi32, #tpu.memory_space<hbm>>) target_semaphore(%run_scoped3A : memref<!tpu.dma_semaphore, #tpu.memory_space<semaphore_mem>>)
      %dma_wait3A = arith.constant 0 : i32
      %dma_wait3A_19 = tpu.memref_slice %arg3[%add3A, %dma_wait3A] : memref<32x32768xi32, #tpu.memory_space<hbm>> -> memref<1x32768xi32, #tpu.memory_space<hbm>>
      %dma_wait3A_20 = tpu.memref_squeeze %dma_wait3A_19 : memref<1x32768xi32, #tpu.memory_space<hbm>> -> memref<32768xi32, #tpu.memory_space<hbm>>
      %dma_wait3A_21 = arith.constant 0 : i32
      %dma_wait3A_22 = tpu.memref_slice %arg3[%add3A, %dma_wait3A_21] : memref<32x32768xi32, #tpu.memory_space<hbm>> -> memref<1x32768xi32, #tpu.memory_space<hbm>>
      %dma_wait3A_23 = tpu.memref_squeeze %dma_wait3A_22 : memref<1x32768xi32, #tpu.memory_space<hbm>> -> memref<32768xi32, #tpu.memory_space<hbm>>
      tpu.wait_dma2 semaphore(%run_scoped3A : memref<!tpu.dma_semaphore, #tpu.memory_space<semaphore_mem>>) src(%arg5 : memref<32768xi32, #tpu.memory_space<vmem>>) dst(%dma_wait3A_23 : memref<32768xi32, #tpu.memory_space<hbm>>)
      tpu.yield
    }) : () -> ()
    return
  }
}

module attributes {stable_mosaic.version = 14 : i64} {
  func.func @_finish_body(%arg0: memref<32x32768xi32, #tpu.memory_space<vmem>>, %arg1: memref<64x32768xf32, #tpu.memory_space<vmem>>, %arg2: memref<64x32768xf32, #tpu.memory_space<vmem>>) attributes {dimension_semantics = [], scalar_prefetch = 0 : i64, scratch_operands = 0 : i64, tpu.core_type = #tpu.core_type<tc>} {
    %get3A = arith.constant 0 : index
    %get3A_0 = arith.constant 0 : index
    %get3A_1 = vector.load %arg0[%get3A, %get3A_0] : memref<32x32768xi32, #tpu.memory_space<vmem>>, vector<32x32768xi32>
    %reduce_sum3A = arith.constant dense<0> : vector<32768xi32>
    %reduce_sum3A_2 = vector.multi_reduction <add>, %get3A_1, %reduce_sum3A [0] : vector<32x32768xi32> to vector<32768xi32>
    %broadcast_in_dim3A = vector.shape_cast %reduce_sum3A_2 : vector<32768xi32> to vector<1x32768xi32>
    %iota3A = tpu.iota {dimensions = array<i32: 1>} : vector<1x32768xi32>
    %get3A_3 = arith.constant 0 : index
    %get3A_4 = arith.constant 0 : index
    %get3A_5 = vector.load %arg1[%get3A_3, %get3A_4] : memref<64x32768xf32, #tpu.memory_space<vmem>>, vector<64x32768xf32>
    %bitcast_convert_type3A = tpu.bitcast %get3A_5 : vector<64x32768xf32> -> vector<64x32768xi32>
    %and3A = arith.constant 2147483647 : i32
    %and3A_6 = vector.broadcast %and3A : i32 to vector<64x32768xi32>
    %and3A_7 = arith.andi %bitcast_convert_type3A, %and3A_6 : vector<64x32768xi32>
    %scan3A = arith.constant 0 : i32
    %scan3A_8 = arith.constant 0 : i32
    %scan3A_9 = arith.constant 15 : i32
    %scan3A_10 = arith.addi %scan3A_8, %scan3A_9 : i32
    %scan3A_11 = arith.constant 1 : i32
    %scan3A_12 = scf.for %scan3A_25 = %scan3A_8 to %scan3A_10 step %scan3A_11 iter_args(%scan3A_26 = %scan3A) -> (i32)  : i32 {
      %sub3A = arith.constant 14 : i32
      %sub3A_27 = arith.subi %sub3A, %scan3A_25 : i32
      %shift_left3A_28 = arith.constant 1 : i32
      %shift_left3A_29 = arith.shli %shift_left3A_28, %sub3A_27 : i32
      %or3A = arith.ori %scan3A_26, %shift_left3A_29 : i32
      %ge3A_30 = vector.broadcast %or3A : i32 to vector<1x32768xi32>
      %ge3A_31 = arith.cmpi sge, %iota3A, %ge3A_30 : vector<1x32768xi32>
      %jit3A_32 = arith.constant 0 : i32
      %broadcast_in_dim3A_33 = vector.broadcast %jit3A_32 : i32 to vector<1x32768xi32>
      %select_n3A_34 = arith.select %ge3A_31, %broadcast_in_dim3A, %broadcast_in_dim3A_33 : vector<1x32768xi1>, vector<1x32768xi32>
      %reduce_sum3A_35 = vector.shape_cast %select_n3A_34 : vector<1x32768xi32> to vector<1x1x32768xi32>
      %reduce_sum3A_36 = arith.constant dense<0> : vector<1xi32>
      %reduce_sum3A_37 = vector.multi_reduction <add>, %reduce_sum3A_35, %reduce_sum3A_36 [1, 2] : vector<1x1x32768xi32> to vector<1xi32>
      %reduce_sum3A_38 = vector.shape_cast %reduce_sum3A_37 : vector<1xi32> to vector<1x1x1xi32>
      %reduce_sum3A_39 = vector.extract %reduce_sum3A_38[0, 0, 0] : i32 from vector<1x1x1xi32>
      %ge3A_40 = arith.constant 209715 : i32
      %ge3A_41 = arith.cmpi sge, %reduce_sum3A_39, %ge3A_40 : i32
      %select_n3A_42 = arith.select %ge3A_41, %or3A, %scan3A_26 : i32
      scf.yield %select_n3A_42 : i32
    }
    %scan3A_13 = arith.constant 15 : i32
    %shift_left3A = arith.constant 16 : i32
    %shift_left3A_14 = arith.shli %scan3A_12, %shift_left3A : i32
    %scan3A_15 = arith.constant 0 : i32
    %scan3A_16 = arith.constant 16 : i32
    %scan3A_17 = arith.addi %scan3A_15, %scan3A_16 : i32
    %scan3A_18 = arith.constant 1 : i32
    %scan3A_19 = scf.for %scan3A_25 = %scan3A_15 to %scan3A_17 step %scan3A_18 iter_args(%scan3A_26 = %shift_left3A_14) -> (i32)  : i32 {
      %sub3A = arith.constant 15 : i32
      %sub3A_27 = arith.subi %sub3A, %scan3A_25 : i32
      %shift_left3A_28 = arith.constant 1 : i32
      %shift_left3A_29 = arith.shli %shift_left3A_28, %sub3A_27 : i32
      %or3A = arith.ori %scan3A_26, %shift_left3A_29 : i32
      %ge3A_30 = vector.broadcast %or3A : i32 to vector<64x32768xi32>
      %ge3A_31 = arith.cmpi sge, %and3A_7, %ge3A_30 : vector<64x32768xi32>
      %convert_element_type3A = arith.extui %ge3A_31 : vector<64x32768xi1> to vector<64x32768xi32>
      %reduce_sum3A_32 = vector.shape_cast %convert_element_type3A : vector<64x32768xi32> to vector<1x64x32768xi32>
      %reduce_sum3A_33 = arith.constant dense<0> : vector<1xi32>
      %reduce_sum3A_34 = vector.multi_reduction <add>, %reduce_sum3A_32, %reduce_sum3A_33 [1, 2] : vector<1x64x32768xi32> to vector<1xi32>
      %reduce_sum3A_35 = vector.shape_cast %reduce_sum3A_34 : vector<1xi32> to vector<1x1x1xi32>
      %reduce_sum3A_36 = vector.extract %reduce_sum3A_35[0, 0, 0] : i32 from vector<1x1x1xi32>
      %ge3A_37 = arith.constant 209715 : i32
      %ge3A_38 = arith.cmpi sge, %reduce_sum3A_36, %ge3A_37 : i32
      %select_n3A_39 = arith.select %ge3A_38, %or3A, %scan3A_26 : i32
      scf.yield %select_n3A_39 : i32
    }
    %scan3A_20 = arith.constant 16 : i32
    %ge3A = vector.broadcast %scan3A_19 : i32 to vector<64x32768xi32>
    %ge3A_21 = arith.cmpi sge, %and3A_7, %ge3A : vector<64x32768xi32>
    %jit3A = arith.constant 0.000000e+00 : f32
    %broadcast_in_dim3A_22 = vector.broadcast %jit3A : f32 to vector<64x32768xf32>
    %select_n3A = arith.select %ge3A_21, %get3A_5, %broadcast_in_dim3A_22 : vector<64x32768xi1>, vector<64x32768xf32>
    %swap3A = arith.constant 0 : index
    %swap3A_23 = arith.constant 0 : index
    %swap3A_24 = vector.load %arg2[%swap3A, %swap3A_23] : memref<64x32768xf32, #tpu.memory_space<vmem>>, vector<64x32768xf32>
    tpu.vector_store %arg2[%swap3A, %swap3A_23], %select_n3A {strides = array<i32>} : memref<64x32768xf32, #tpu.memory_space<vmem>>, vector<64x32768xf32>,
    return
  }
}

</mosaic_0001>

<sc_bundles>
// kernel: kernel.4.cloned.1.call-start
scs
__scs_entry_jumppad:
0x0: {  	(pc) =	sbr.rel $0x88, $3  }
0x1: {  	(tag) =	ssettag $0x0;
	lr =	simm.s32 $0x1  }
0x2: {  	[smem:$0x3FA0] =	sst lr;
	_ =	strace $0xD0000000  }
0x3: {  	_ = 	snop  }
0x4: {  	_ = 	snop  }
0x5: {  	_ = 	snop  }
0x6: {  	_ = 	snop  }
0x7: {  	_ = 	snop  }
__scs_overlays_trampoline_lowered:
0x8: {  	[smem:$0x3FAF] =	sst s0  }
0x9: {  	[smem:$0x3FB0] =	sst s1  }
0xa: {  	[smem:$0x3FB1] =	sst s2  }
0xb: {  	[smem:$0x3FB2] =	sst s3  }
0xc: {  	[smem:$0x3FB3] =	sst s4  }
0xd: {  	[smem:$0x3FB4] =	sst s5  }
0xe: {  	[smem:$0x3FB5] =	sst s6  }
0xf: {  	[smem:$0x3FB6] =	sst s7  }
0x10: {  	[smem:$0x3FB7] =	sst s8  }
0x11: {  	[smem:$0x3FB8] =	sst s9;
	s0 =	simm.s32 @!p0 $0x0  }
0x12: {  	s1 =	sld [smem:$0x3F9E];
	s0 =	simm.s32 @p0 $0x1  }
0x13: {  	[smem:$0x3FB9] =	sst s0;
	s0 =	simm.s32 @!p1 $0x0  }
0x14: {  	s2 =	sld [smem:$0x3F9D];
	s0 =	simm.s32 @p1 $0x1  }
0x15: {  	[smem:$0x3FBA] =	sst s0;
	s0 =	simm.s32 @!p2 $0x0  }
0x16: {  	s3 =	sld [smem:$0x3FDB];
	s0 =	simm.s32 @p2 $0x1  }
0x17: {  	s4 =	simm.s32 $0x1BF5;
	[smem:$0x3FBC] =	sst s0  }
0x18: {  	s0 =	sld [smem:$0x3F9F];
	_ =	swait.ge [sflag:s4], $0x0  }
0x19: {  	s7 =	sld [smem:$0x3FA0]  }
0x1a: {  	s8 =	sadd.s32 $0xFFFFE003, lr  }
0x1b: {  	s9 =	sadd.s32 $0xFFFFFEF7, lr;
	s5 =	simm.s32 $0xFFFFFFFF;
	p2 =	slt.u32 s8, $0xFFFFF086  }
0x1c: {  	p1 =	slt.u32 s9, $0xF7A;
	s5 =	simm.s32 @!p2 $0x0  }
0x1d: {  	s5 =	simm.s32 @p1 $0x1;
	p0 =	seq.s32 s7, s2  }
0x1e: {  	s7 =	smul.u32 @!p0 $0xF7A, s2;
	p2 =	seq.s32 @!p0 s5, $0x0  }
0x1f: {  	s9 =	smul.u32 $0xF7A, s1;
	s8 =	simm.s32 @!p0 $0x1BF5;
	p2 =	por !p2, p0  }
0x20: {  	[sflag:s8] =	ssyncset.s32 @!p0 $0xFFFFF086;
	s6 =	sadd.s32 @!p0 s3, s7;
	s7 =	simm.s32 @!p0 $0x108  }
0x21: {  	s3 =	sadd.s32 s3, s9;
	s6 =	sadd.s32 @!p0 $0x88, s6;
	s7 =	simm.s32 @p2 $0x1082  }
0x22: {  	[simem:s7], [sflag:s8] =	dma.local @!p0 [hbm:s6], $0xF7A  }
0x23: {  	s9 =	sor.u32 $0xD0000000, s2;
	s6 =	simm.s32 $0x108;
	_ =	swait.ge @!p0 [sflag:s8], $0x0  }
0x24: {  	s3 =	sadd.s32 $0x88, s3;
	s6 =	simm.s32 @!p1 $0x1082;
	[sflag:s4] =	ssyncset.s32 $0xFFFFF086  }
0x25: {  	[simem:s6], [sflag:s4] =	dma.local [hbm:s3], $0xF7A  }
0x26: {  	[smem:$0x3FA0] =	sst s1;
	(tag) =	ssettag s2;
	_ =	strace s9  }
0x27: {  	s1 =	sld [smem:$0x3FB0]  }
0x28: {  	s2 =	sld [smem:$0x3FB1]  }
0x29: {  	s4 =	sld [smem:$0x3FB3]  }
0x2a: {  	p0 =	seq.s32 s5, $0x0;
	s5 =	sld [smem:$0x3FB4]  }
0x2b: {  	s6 =	sld [smem:$0x3FB5]  }
0x2c: {  	s7 =	sld [smem:$0x3FB6]  }
0x2d: {  	s3 =	simm.s32 $0x108;
	s8 =	sld [smem:$0x3FB7]  }
0x2e: {  	s3 =	simm.s32 @!p0 $0x1082;
	s9 =	sld [smem:$0x3FB8]  }
0x2f: {  	lr =	sadd.s32 s0, s3;
	s0 =	sld [smem:$0x3FAF]  }
0x30: {  	s3 =	sld [smem:$0x3FB2]  }
0x31: {  	[smem:$0x3FBB] =	sst s10  }
0x32: {  	s10 =	sld [smem:$0x3FB9];
	_ =	sdelay $0x3  }
0x33: {  	p0 =	seq.s32 s10, $0x1;
	s10 =	sld [smem:$0x3FBB];
	_ =	sdelay $0x3  }
0x34: {  	[smem:$0x3FBB] =	sst s10  }
0x35: {  	s10 =	sld [smem:$0x3FBA];
	_ =	sdelay $0x3  }
0x36: {  	p1 =	seq.s32 s10, $0x1;
	s10 =	sld [smem:$0x3FBB];
	_ =	sdelay $0x3  }
0x37: {  	[smem:$0x3FBB] =	sst s10  }
0x38: {  	s10 =	sld [smem:$0x3FBC]  }
0x39: {  	_ = 	snop;
	(pc) =	sbr.ind lr, $3  }
0x3a: {  	_ = 	snop  }
0x3b: {  	_ = 	snop  }
0x3c: {  	p2 =	seq.s32 s10, $0x1;
	s10 =	sld [smem:$0x3FBB]  }
0x3d: {  	_ =	shalt  }
0x3e: {  	_ =	shalt  }
0x3f: {  	_ =	shalt  }
0x40: {  	_ =	shalt  }
0x41: {  	_ =	shalt  }
0x42: {  	_ =	shalt  }
0x43: {  	_ =	shalt  }
0x44: {  	_ =	shalt  }
0x45: {  	_ =	shalt  }
0x46: {  	_ =	shalt  }
0x47: {  	_ =	shalt  }
0x48: {  	_ =	shalt  }
0x49: {  	_ =	shalt  }
0x4a: {  	_ =	shalt  }
0x4b: {  	_ =	shalt  }
0x4c: {  	_ =	shalt  }
0x4d: {  	_ =	shalt  }
0x4e: {  	_ =	shalt  }
0x4f: {  	_ =	shalt  }
0x50: {  	_ =	shalt  }
0x51: {  	_ =	shalt  }
0x52: {  	_ =	shalt  }
0x53: {  	_ =	shalt  }
0x54: {  	_ =	shalt  }
0x55: {  	_ =	shalt  }
0x56: {  	_ =	shalt  }
0x57: {  	_ =	shalt  }
0x58: {  	_ =	shalt  }
0x59: {  	_ =	shalt  }
0x5a: {  	_ =	shalt  }
0x5b: {  	_ =	shalt  }
0x5c: {  	_ =	shalt  }
0x5d: {  	_ =	shalt  }
0x5e: {  	_ =	shalt  }
0x5f: {  	_ =	shalt  }
0x60: {  	_ =	shalt  }
0x61: {  	_ =	shalt  }
0x62: {  	_ =	shalt  }
0x63: {  	_ =	shalt  }
0x64: {  	_ =	shalt  }
0x65: {  	_ =	shalt  }
0x66: {  	_ =	shalt  }
0x67: {  	_ =	shalt  }
0x68: {  	_ =	shalt  }
0x69: {  	_ =	shalt  }
0x6a: {  	_ =	shalt  }
0x6b: {  	_ =	shalt  }
0x6c: {  	_ =	shalt  }
0x6d: {  	_ =	shalt  }
0x6e: {  	_ =	shalt  }
0x6f: {  	_ =	shalt  }
0x70: {  	_ =	shalt  }
0x71: {  	_ =	shalt  }
0x72: {  	_ =	shalt  }
0x73: {  	_ =	shalt  }
0x74: {  	_ =	shalt  }
0x75: {  	_ =	shalt  }
0x76: {  	_ =	shalt  }
0x77: {  	_ =	shalt  }
0x78: {  	_ =	shalt  }
0x79: {  	_ =	shalt  }
0x7a: {  	_ =	shalt  }
0x7b: {  	_ =	shalt  }
0x7c: {  	_ =	shalt  }
0x7d: {  	_ =	shalt  }
0x7e: {  	_ =	shalt  }
0x7f: {  	_ =	shalt  }
0x80: {  	_ =	shalt  }
0x81: {  	_ =	shalt  }
0x82: {  	_ =	shalt  }
0x83: {  	_ =	shalt  }
0x84: {  	_ =	shalt  }
0x85: {  	_ =	shalt  }
0x86: {  	_ =	shalt  }
0x87: {  	_ =	shalt  }
.Lfunc_end0:
.L_simem_size_0:
called_computation_lowered:
.L_overlay_start_0:
0x88: {  	s2 =	sld [smem:$0x3FD9]  }
0x89: {  	s3 =	sld [smem:$0x3FFE];
	_ =	sdelay $0x1  }
0x8a: {  	s1 =	srdreg.scid  }
0x8b: {  	s0 =	sand.u32 $0x1, s1  }
0x8c: {  	s17 =	sshll.u32 s0, $0xA;
	s2 =	sadd.s32 s3, s2  }
0x8d: {  	s2 =	sadd.s32 s2, s17  }
0x8e: {  	[smem:$0x3FC7] =	sst s2  }
0x8f: {  	_ = 	snop  }
0x90: {  	s2 =	sld [smem:$0x3FD0];
	(tm) =	ssettm $0x1  }
0x91: {  	s18 =	sld [smem:$0x3FFB];
	_ =	sdelay $0x3  }
0x92: {  	_ =	strace s18  }
0x93: {  	s3 =	sld [smem:$0x3FFC];
	_ =	sdelay $0x3  }
0x94: {  	_ =	strace s3  }
0x95: {  	s3 =	sld [smem:$0x3FFD];
	_ =	sdelay $0x3  }
0x96: {  	_ =	strace s3  }
0x97: {  	_ =	strace $0x8FFFFFFF  }
0x98: {  	s19 =	sld [smem:$0x3FDB];
	_ =	sdelay $0x1  }
0x99: {  	s4 =	simm.s32 $_scs_section_size  }
0x9a: {  	s5 =	simm.s32 $_size__tile_overlayer_lowered;
	s6 =	simm.s32 $_tile_overlayer_lowered  }
0x9b: {  	s22 =	simm.s32 $0x1BFF;
	s21 =	sshll.u32 s6, $0x1;
	s3 =	sadd.s32 s4, s19  }
0x9c: {  	s7 =	simm.s32 $0x0;
	s20 =	sshll.u32 s5, $0x1;
	s5 =	sadd.s32 s21, s3  }
0x9d: {  	[timem:s7], [sflag:s22] =	dma.local [hbm:s5], s20  }
0x9e: {  	_ =	swait.ge [sflag:s22], s20  }
0x9f: {  	s4 =	ssub.s32 $0x0, s20;
	[sflag:s22] =	ssyncset.done $0x0  }
0xa0: {  	[sflag:s22] =	ssyncadd.s32 s4;
	_ =	sdelay $0x1  }
0xa1: {  	s23 =	simm.s32 $0x1B8B  }
0xa2: {  	_ =	swait.ge [sflag:s23], $0x1  }
0xa3: {  	[sflag:s23] =	ssyncset.done $0x0  }
0xa4: {  	s25 =	simm.s32 $0x1B8E;
	s24 =	sld [smem:$0x3FFE];
	[sflag:s23] =	ssyncadd.s32 $0xFFFFFFFF  }
0xa5: {  	s26 =	simm.s32 $execute0_lowered;
	[smem:$0x3FD2] =	sst s25  }
0xa6: {  	s5 =	sshll.u32 s26, $0x1;
	_ =	strace $0x80000046;
	[dreg:$0x1] =	wrdreg $0xFFFFFFFF  }
0xa7: {  	s28 =	simm.s32 $_size_execute0_lowered;
	s3 =	sadd.s32 s3, s5;
	[dreg:$0x0] =	wrdreg $0x0  }
0xa8: {  	s5 =	sshll.u32 s28, $0x1;
	[dreg:$0x2] =	wrdreg s3  }
0xa9: {  	[dreg:$0x3] =	wrdreg s5  }
0xaa: {  	[dreg:$0x4] =	wrdreg $0xC0  }
0xab: {  	_ =	task [dreg:s7], $0x5FFFF  }
0xac: {  	[dreg:$0x1] =	wrdreg $0xFFFFFFFF  }
0xad: {  	[dreg:$0x0] =	wrdreg $0x60  }
0xae: {  	[dreg:$0x2] =	wrdreg s2  }
0xaf: {  	[dreg:$0x3] =	wrdreg s24  }
0xb0: {  	[dreg:$0x4] =	wrdreg $0x9  }
0xb1: {  	_ =	task.clear_ibuf [dreg:s7], $0x5FFFF;
	_ =	strace $0x90000046  }
0xb2: {  	s29 =	simm.s32 $0x9;
	_ =	strace $0x80000048  }
0xb3: {  	_ =	swait.ge [sflag:s29], $0x1  }
0xb4: {  	[sflag:s29] =	ssyncadd.s32 $0xFFFFFFFF  }
0xb5: {  	_ =	strace $0x90000048  }
0xb6: {  	_ =	sfence  }
0xb7: {  	s30 =	sld [smem:$0x0];
	_ =	sdelay $0x2  }
0xb8: {  	s31 =	sshll.u32 s1, $0xD;
	s1 =	sshrl.u32 s1, $0x2  }
0xb9: {  	s3 =	sand.u32 $0x4000, s31;
	s1 =	sadd.s32 s1, s30  }
0xba: {  	s0 =	sor.u32 s3, s0;
	s1 =	sshll.u32 s1, $0x11  }
0xbb: {  	s0 =	sor.u32 s1, s0  }
0xbc: {  	s0 =	sadd.s32 $0x8F2B, s0  }
0xbd: {  	[sflag:s0] =	ssyncadd.remote.s32 $0x1  }
0xbe: {  	_ =	sfence.sel $0xFFFF  }
0xbf: {  	[dreg:$0x0] =	wrdreg $0xFFFFFFFF;
	(pc) =	sbr.abs _section_cstart, $3  }
0xc0: {  	[dreg:$0x1] =	wrdreg $0xFFFFFFFF  }
0xc1: {  	_ =	task.clear_ibuf [dreg:s7], $0x2FFFF;
	_ =	strace $0x9FFFFFFF  }
0xc2: {  	(tm) =	ssettm $0x7FFFFFFF  }
0xc3: {  	_ =	shalt  }
tec
execute0_lowered:
.L_overlay_start_1:
0x0: {  	(tag) =	ssettag $0x1  }
0x1: {  	s3 =	rddreg [dreg:$0x0]  }
0x2: {  	s4 =	rddreg [dreg:$0x1]  }
0x3: {  	s0 =	rddreg [dreg:$0x2]  }
0x4: {  	s5 =	srdreg.scid;
	s1 =	stileid.u32  }
0x5: {  	s2 =	simm.s32 $0x0;
	s5 =	sand.u32 $0x1, s5;
	s6 =	sshll.u32 s1, $0x1  }
0x6: {  	[smem:$0x7FF] =	sst s2;
	s6 =	sor.u32 s5, s6;
	s5 =	ssub.s32 $0x2, s5  }
0x7: {  	_ =	strace $0x80000047;
	s7 =	sshll.u32 s6, $0xC;
	s8 =	sshrl.u32 s5, $0x1  }
0x8: {  	s6 =	sshll.u32 s6, $0xD;
	s4 =	sadd.s32 s7, s4;
	s5 =	ssub.s32 s5, s8  }
0x9: {  	s3 =	sadd.s32 s3, s6;
	s6 =	simm.s32 $0x1;
	s7 =	simm.s32 $0x10000  }
0xa: {  	v0 =	vimm.s32 $0x0;
	v1 =	vimm.s32 $0x1;
	s8 =	simm.s32 $0x0;
	s4 =	sadd.s32 $0xC00, s4;
	s5 =	smax.u32 s5, $0x1  }
.LBB2_1:
0xb: {  	[tilespmem:s2], [sflag:$0x1] =	stream.linear.gather [hbm4b:s3+s2], $0x10000, $0x38;
	[tilespmem:$0x18000] =	vst v63  }
0xc: {  	_ =	swait.ge [sflag:s6], $0x10000  }
0xd: {  	[sflag:s6] =	ssyncset.done $0x0  }
0xe: {  	s9 =	simm.s32 $0x10200;
	[sflag:s6] =	ssyncadd.s32 $0xFFFF0000  }
0xf: {  	[tilespmem:s9+$0xFFFFFE00] =	vst v0  }
0x10: {  	[tilespmem:s9+$0x1F0] =	vst v0  }
0x11: {  	[tilespmem:s9+$0x1E0] =	vst v0  }
0x12: {  	[tilespmem:s9+$0x1D0] =	vst v0  }
0x13: {  	[tilespmem:s9+$0x1C0] =	vst v0  }
0x14: {  	[tilespmem:s9+$0x1B0] =	vst v0  }
0x15: {  	[tilespmem:s9+$0x1A0] =	vst v0  }
0x16: {  	[tilespmem:s9+$0x190] =	vst v0  }
0x17: {  	[tilespmem:s9+$0x180] =	vst v0  }
0x18: {  	[tilespmem:s9+$0x170] =	vst v0  }
0x19: {  	[tilespmem:s9+$0x160] =	vst v0  }
0x1a: {  	[tilespmem:s9+$0x150] =	vst v0  }
0x1b: {  	[tilespmem:s9+$0x140] =	vst v0  }
0x1c: {  	[tilespmem:s9+$0x130] =	vst v0  }
0x1d: {  	[tilespmem:s9+$0x120] =	vst v0  }
0x1e: {  	[tilespmem:s9+$0x110] =	vst v0  }
0x1f: {  	[tilespmem:s9+$0x100] =	vst v0  }
0x20: {  	[tilespmem:s9+$0xF0] =	vst v0  }
0x21: {  	[tilespmem:s9+$0xE0] =	vst v0  }
0x22: {  	[tilespmem:s9+$0xD0] =	vst v0  }
0x23: {  	[tilespmem:s9+$0xC0] =	vst v0  }
0x24: {  	[tilespmem:s9+$0xB0] =	vst v0  }
0x25: {  	[tilespmem:s9+$0xA0] =	vst v0  }
0x26: {  	[tilespmem:s9+$0x90] =	vst v0  }
0x27: {  	[tilespmem:s9+$0x80] =	vst v0  }
0x28: {  	[tilespmem:s9+$0x70] =	vst v0  }
0x29: {  	[tilespmem:s9+$0x60] =	vst v0  }
0x2a: {  	[tilespmem:s9+$0x50] =	vst v0  }
0x2b: {  	[tilespmem:s9+$0x40] =	vst v0  }
0x2c: {  	[tilespmem:s9+$0x30] =	vst v0  }
0x2d: {  	[tilespmem:s9+$0x20] =	vst v0  }
0x2e: {  	[tilespmem:s9+$0x10] =	vst v0  }
0x2f: {  	[tilespmem:s9+$0x0] =	vst v0  }
0x30: {  	[tilespmem:s9+$0xFFFFFFF0] =	vst v0  }
0x31: {  	[tilespmem:s9+$0xFFFFFFE0] =	vst v0  }
0x32: {  	[tilespmem:s9+$0xFFFFFFD0] =	vst v0  }
0x33: {  	[tilespmem:s9+$0xFFFFFFC0] =	vst v0  }
0x34: {  	[tilespmem:s9+$0xFFFFFFB0] =	vst v0  }
0x35: {  	[tilespmem:s9+$0xFFFFFFA0] =	vst v0  }
0x36: {  	[tilespmem:s9+$0xFFFFFF90] =	vst v0  }
0x37: {  	[tilespmem:s9+$0xFFFFFF80] =	vst v0  }
0x38: {  	[tilespmem:s9+$0xFFFFFF70] =	vst v0  }
0x39: {  	[tilespmem:s9+$0xFFFFFF60] =	vst v0  }
0x3a: {  	[tilespmem:s9+$0xFFFFFF50] =	vst v0  }
0x3b: {  	[tilespmem:s9+$0xFFFFFF40] =	vst v0  }
0x3c: {  	[tilespmem:s9+$0xFFFFFF30] =	vst v0  }
0x3d: {  	[tilespmem:s9+$0xFFFFFF20] =	vst v0  }
0x3e: {  	[tilespmem:s9+$0xFFFFFF10] =	vst v0  }
0x3f: {  	[tilespmem:s9+$0xFFFFFF00] =	vst v0  }
0x40: {  	[tilespmem:s9+$0xFFFFFEF0] =	vst v0  }
0x41: {  	[tilespmem:s9+$0xFFFFFEE0] =	vst v0  }
0x42: {  	[tilespmem:s9+$0xFFFFFED0] =	vst v0  }
0x43: {  	[tilespmem:s9+$0xFFFFFEC0] =	vst v0  }
0x44: {  	[tilespmem:s9+$0xFFFFFEB0] =	vst v0  }
0x45: {  	[tilespmem:s9+$0xFFFFFEA0] =	vst v0  }
0x46: {  	[tilespmem:s9+$0xFFFFFE90] =	vst v0  }
0x47: {  	[tilespmem:s9+$0xFFFFFE80] =	vst v0  }
0x48: {  	[tilespmem:s9+$0xFFFFFE70] =	vst v0  }
0x49: {  	[tilespmem:s9+$0xFFFFFE60] =	vst v0  }
0x4a: {  	[tilespmem:s9+$0xFFFFFE50] =	vst v0  }
0x4b: {  	[tilespmem:s9+$0xFFFFFE40] =	vst v0  }
0x4c: {  	[tilespmem:s9+$0xFFFFFE30] =	vst v0  }
0x4d: {  	s11 =	simm.s32 $0x0;
	[tilespmem:s9+$0xFFFFFE20] =	vst v0  }
.LBB2_2:
0x4e: {  	s11 =	sadd.s32 $0x40, s11;
	[tilespmem:s9+$0xFFFFFE10] =	vst v0;
	s9 =	sadd.s32 $0x400, s9;
	s10 =	simm.s32 $0x200  }
0x4f: {  	[tilespmem:s9+$0xFFFFFE00] =	vst v0;
	p0 =	slt.u32 s11, $0x7C0  }
0x50: {  	[tilespmem:s9+$0x1F0] =	vst v0  }
0x51: {  	[tilespmem:s9+$0x1E0] =	vst v0  }
0x52: {  	[tilespmem:s9+$0x1D0] =	vst v0  }
0x53: {  	[tilespmem:s9+$0x1C0] =	vst v0  }
0x54: {  	[tilespmem:s9+$0x1B0] =	vst v0  }
0x55: {  	[tilespmem:s9+$0x1A0] =	vst v0  }
0x56: {  	[tilespmem:s9+$0x190] =	vst v0  }
0x57: {  	[tilespmem:s9+$0x180] =	vst v0  }
0x58: {  	[tilespmem:s9+$0x170] =	vst v0  }
0x59: {  	[tilespmem:s9+$0x160] =	vst v0  }
0x5a: {  	[tilespmem:s9+$0x150] =	vst v0  }
0x5b: {  	[tilespmem:s9+$0x140] =	vst v0  }
0x5c: {  	[tilespmem:s9+$0x130] =	vst v0  }
0x5d: {  	[tilespmem:s9+$0x120] =	vst v0  }
0x5e: {  	[tilespmem:s9+$0x110] =	vst v0  }
0x5f: {  	[tilespmem:s9+$0x100] =	vst v0  }
0x60: {  	[tilespmem:s9+$0xF0] =	vst v0  }
0x61: {  	[tilespmem:s9+$0xE0] =	vst v0  }
0x62: {  	[tilespmem:s9+$0xD0] =	vst v0  }
0x63: {  	[tilespmem:s9+$0xC0] =	vst v0  }
0x64: {  	[tilespmem:s9+$0xB0] =	vst v0  }
0x65: {  	[tilespmem:s9+$0xA0] =	vst v0  }
0x66: {  	[tilespmem:s9+$0x90] =	vst v0  }
0x67: {  	[tilespmem:s9+$0x80] =	vst v0  }
0x68: {  	[tilespmem:s9+$0x70] =	vst v0  }
0x69: {  	[tilespmem:s9+$0x60] =	vst v0  }
0x6a: {  	[tilespmem:s9+$0x50] =	vst v0  }
0x6b: {  	[tilespmem:s9+$0x40] =	vst v0  }
0x6c: {  	[tilespmem:s9+$0x30] =	vst v0  }
0x6d: {  	[tilespmem:s9+$0x20] =	vst v0  }
0x6e: {  	[tilespmem:s9+$0x10] =	vst v0  }
0x6f: {  	[tilespmem:s9+$0x0] =	vst v0  }
0x70: {  	[tilespmem:s9+$0xFFFFFFF0] =	vst v0  }
0x71: {  	[tilespmem:s9+$0xFFFFFFE0] =	vst v0  }
0x72: {  	[tilespmem:s9+$0xFFFFFFD0] =	vst v0  }
0x73: {  	[tilespmem:s9+$0xFFFFFFC0] =	vst v0  }
0x74: {  	[tilespmem:s9+$0xFFFFFFB0] =	vst v0  }
0x75: {  	[tilespmem:s9+$0xFFFFFFA0] =	vst v0  }
0x76: {  	[tilespmem:s9+$0xFFFFFF90] =	vst v0  }
0x77: {  	[tilespmem:s9+$0xFFFFFF80] =	vst v0  }
0x78: {  	[tilespmem:s9+$0xFFFFFF70] =	vst v0  }
0x79: {  	[tilespmem:s9+$0xFFFFFF60] =	vst v0  }
0x7a: {  	[tilespmem:s9+$0xFFFFFF50] =	vst v0  }
0x7b: {  	[tilespmem:s9+$0xFFFFFF40] =	vst v0  }
0x7c: {  	[tilespmem:s9+$0xFFFFFF30] =	vst v0  }
0x7d: {  	[tilespmem:s9+$0xFFFFFF20] =	vst v0  }
0x7e: {  	[tilespmem:s9+$0xFFFFFF10] =	vst v0  }
0x7f: {  	[tilespmem:s9+$0xFFFFFF00] =	vst v0  }
0x80: {  	[tilespmem:s9+$0xFFFFFEF0] =	vst v0  }
0x81: {  	[tilespmem:s9+$0xFFFFFEE0] =	vst v0  }
0x82: {  	[tilespmem:s9+$0xFFFFFED0] =	vst v0  }
0x83: {  	[tilespmem:s9+$0xFFFFFEC0] =	vst v0  }
0x84: {  	[tilespmem:s9+$0xFFFFFEB0] =	vst v0  }
0x85: {  	[tilespmem:s9+$0xFFFFFEA0] =	vst v0  }
0x86: {  	[tilespmem:s9+$0xFFFFFE90] =	vst v0  }
0x87: {  	[tilespmem:s9+$0xFFFFFE80] =	vst v0  }
0x88: {  	[tilespmem:s9+$0xFFFFFE70] =	vst v0  }
.Ltmp0:
0x89: {  	[tilespmem:s9+$0xFFFFFE60] =	vst v0;
	(pc) =	sbr.rel @p0 .LBB2_2-.Ltmp0, $4  }
0x8a: {  	[tilespmem:s9+$0xFFFFFE50] =	vst v0  }
0x8b: {  	[tilespmem:s9+$0xFFFFFE40] =	vst v0  }
0x8c: {  	[tilespmem:s9+$0xFFFFFE30] =	vst v0  }
0x8d: {  	[tilespmem:s9+$0xFFFFFE20] =	vst v0  }
0x8e: {  	[tilespmem:s9+$0xFFFFFE10] =	vst v0  }
0x8f: {  	v2 =	vld [tilespmem:s10+$0x180];
	_ =	sdelay $0x4  }
0x90: {  	v3 =	vld [tilespmem:s10+$0xFFFFFE80];
	v2 =	vshrl.u32 v2, $0x10  }
0x91: {  	v4 =	vld [tilespmem:s10+$0xFFFFFF00];
	v2 =	vand.u32 $0x7FFF, v2  }
0x92: {  	v5 =	vld [tilespmem:s10+$0xFFFFFF80];
	_ =	sdelay $0x1  }
0x93: {  	v6 =	vld [tilespmem:s10+$0xFFFFFE00]  }
0x94: {  	v3 =	vshrl.u32 v3, $0x10  }
0x95: {  	[tilespmem:v2+s7+$0x0] =	vst.idx.add.s32.msk $0xffff, v1;
	v2 =	vand.u32 $0x7FFF, v3;
	v3 =	vshrl.u32 v4, $0x10  }
0x96: {  	v7 =	vld [tilespmem:s10+$0x0];
	v5 =	vshrl.u32 v5, $0x10;
	v3 =	vand.u32 $0x7FFF, v3  }
0x97: {  	v5 =	vand.u32 $0x7FFF, v5  }
0x98: {  	v6 =	vshrl.u32 v6, $0x10;
	v4 =	vld [tilespmem:s10+$0x190]  }
0x99: {  	v8 =	vld [tilespmem:s10+$0x80];
	v6 =	vand.u32 $0x7FFF, v6  }
0x9a: {  	v9 =	vld [tilespmem:s10+$0x100]  }
0x9b: {  	[tilespmem:v3+s7+$0x0] =	vst.idx.add.s32.msk $0xffff, v1;
	v3 =	vshrl.u32 v7, $0x10  }
0x9c: {  	[tilespmem:v5+s7+$0x0] =	vst.idx.add.s32.msk $0xffff, v1;
	v3 =	vand.u32 $0x7FFF, v3  }
0x9d: {  	[tilespmem:v2+s7+$0x0] =	vst.idx.add.s32.msk $0xffff, v1;
	v2 =	vshrl.u32 v4, $0x10  }
0x9e: {  	[tilespmem:v6+s7+$0x0] =	vst.idx.add.s32.msk $0xffff, v1;
	v2 =	vand.u32 $0x7FFF, v2  }
0x9f: {  	v4 =	vshrl.u32 v8, $0x10;
	v6 =	vld [tilespmem:s10+$0xFFFFFE90]  }
0xa0: {  	v5 =	vld [tilespmem:s10+$0xFFFFFE10];
	v4 =	vand.u32 $0x7FFF, v4  }
0xa1: {  	v7 =	vshrl.u32 v9, $0x10;
	[tilespmem:v3+s7+$0x0] =	vst.idx.add.s32.msk $0xffff, v1  }
0xa2: {  	v3 =	vand.u32 $0x7FFF, v7;
	v7 =	vld [tilespmem:s10+$0xFFFFFF10]  }
0xa3: {  	[tilespmem:v2+s7+$0x0] =	vst.idx.add.s32.msk $0xffff, v1  }
0xa4: {  	v6 =	vshrl.u32 v6, $0x10;
	v2 =	vld [tilespmem:s10+$0x1A0]  }
0xa5: {  	[tilespmem:v4+s7+$0x0] =	vst.idx.add.s32.msk $0xffff, v1;
	v6 =	vand.u32 $0x7FFF, v6  }
0xa6: {  	v4 =	vshrl.u32 v5, $0x10;
	v5 =	vld [tilespmem:s10+$0xFFFFFF90]  }
0xa7: {  	v4 =	vand.u32 $0x7FFF, v4;
	[tilespmem:v3+s7+$0x0] =	vst.idx.add.s32.msk $0xffff, v1;
	v3 =	vshrl.u32 v7, $0x10  }
0xa8: {  	v8 =	vld [tilespmem:s10+$0x10];
	v3 =	vand.u32 $0x7FFF, v3  }
0xa9: {  	v57 =	vld [tilespmem:s10+$0x90];
	v2 =	vshrl.u32 v2, $0x10  }
0xaa: {  	[tilespmem:v6+s7+$0x0] =	vst.idx.add.s32.msk $0xffff, v1;
	v2 =	vand.u32 $0x7FFF, v2  }
0xab: {  	v5 =	vshrl.u32 v5, $0x10;
	v7 =	vld [tilespmem:s10+$0x110]  }
0xac: {  	[tilespmem:v4+s7+$0x0] =	vst.idx.add.s32.msk $0xffff, v1;
	v4 =	vand.u32 $0x7FFF, v5  }
0xad: {  	v5 =	vshrl.u32 v8, $0x10;
	[tilespmem:v3+s7+$0x0] =	vst.idx.add.s32.msk $0xffff, v1  }
0xae: {  	v5 =	vand.u32 $0x7FFF, v5;
	v3 =	vld [tilespmem:s10+$0xFFFFFE20]  }
0xaf: {  	v6 =	vshrl.u32 v57, $0x10;
	[tilespmem:v2+s7+$0x0] =	vst.idx.add.s32.msk $0xffff, v1  }
0xb0: {  	v2 =	vand.u32 $0x7FFF, v6;
	v6 =	vld [tilespmem:s10+$0x1B0]  }
0xb1: {  	[tilespmem:v4+s7+$0x0] =	vst.idx.add.s32.msk $0xffff, v1  }
0xb2: {  	v4 =	vld [tilespmem:s10+$0xFFFFFEA0]  }
0xb3: {  	[tilespmem:v5+s7+$0x0] =	vst.idx.add.s32.msk $0xffff, v1;
	v5 =	vshrl.u32 v7, $0x10  }
0xb4: {  	v5 =	vand.u32 $0x7FFF, v5;
	v8 =	vld [tilespmem:s10+$0x20];
	v3 =	vshrl.u32 v3, $0x10  }
0xb5: {  	[tilespmem:v2+s7+$0x0] =	vst.idx.add.s32.msk $0xffff, v1;
	v3 =	vand.u32 $0x7FFF, v3;
	v2 =	vshrl.u32 v6, $0x10  }
0xb6: {  	v7 =	vld [tilespmem:s10+$0xFFFFFFA0];
	v2 =	vand.u32 $0x7FFF, v2  }
0xb7: {  	v6 =	vld [tilespmem:s10+$0xFFFFFF20]  }
0xb8: {  	v58 =	vld [tilespmem:s10+$0xA0]  }
0xb9: {  	[tilespmem:v5+s7+$0x0] =	vst.idx.add.s32.msk $0xffff, v1  }
0xba: {  	v8 =	vshrl.u32 v8, $0x10;
	[tilespmem:v3+s7+$0x0] =	vst.idx.add.s32.msk $0xffff, v1  }
0xbb: {  	v4 =	vshrl.u32 v4, $0x10;
	v3 =	vand.u32 $0x7FFF, v8;
	[tilespmem:v2+s7+$0x0] =	vst.idx.add.s32.msk $0xffff, v1  }
0xbc: {  	v2 =	vand.u32 $0x7FFF, v4;
	v4 =	vshrl.u32 v6, $0x10;
	v6 =	vld [tilespmem:s10+$0x1C0]  }
0xbd: {  	v5 =	vshrl.u32 v7, $0x10;
	v7 =	vld [tilespmem:s10+$0x120];
	v4 =	vand.u32 $0x7FFF, v4;
	_ =	sdelay $0x1  }
0xbe: {  	v5 =	vand.u32 $0x7FFF, v5;
	v8 =	vshrl.u32 v58, $0x10;
	v59 =	vld [tilespmem:s10+$0xFFFFFE30]  }
0xbf: {  	v8 =	vand.u32 $0x7FFF, v8;
	[tilespmem:v3+s7+$0x0] =	vst.idx.add.s32.msk $0xffff, v1  }
0xc0: {  	[tilespmem:v2+s7+$0x0] =	vst.idx.add.s32.msk $0xffff, v1;
	v2 =	vshrl.u32 v6, $0x10  }
0xc1: {  	[tilespmem:v4+s7+$0x0] =	vst.idx.add.s32.msk $0xffff, v1;
	v4 =	vshrl.u32 v7, $0x10;
	v2 =	vand.u32 $0x7FFF, v2  }
0xc2: {  	v3 =	vld [tilespmem:s10+$0xFFFFFEB0];
	v4 =	vand.u32 $0x7FFF, v4  }
0xc3: {  	[tilespmem:v5+s7+$0x0] =	vst.idx.add.s32.msk $0xffff, v1  }
0xc4: {  	[tilespmem:v8+s7+$0x0] =	vst.idx.add.s32.msk $0xffff, v1  }
0xc5: {  	v7 =	vld [tilespmem:s10+$0x30]  }
0xc6: {  	v5 =	vshrl.u32 v59, $0x10;
	[tilespmem:v2+s7+$0x0] =	vst.idx.add.s32.msk $0xffff, v1  }
0xc7: {  	v3 =	vshrl.u32 v3, $0x10;
	[tilespmem:v4+s7+$0x0] =	vst.idx.add.s32.msk $0xffff, v1;
	v4 =	vand.u32 $0x7FFF, v5  }
0xc8: {  	v5 =	vld [tilespmem:s10+$0xFFFFFF30];
	v3 =	vand.u32 $0x7FFF, v3  }
0xc9: {  	v2 =	vld [tilespmem:s10+$0x1D0]  }
0xca: {  	v6 =	vld [tilespmem:s10+$0xFFFFFFB0]  }
0xcb: {  	v8 =	vld [tilespmem:s10+$0xB0]  }
0xcc: {  	v7 =	vshrl.u32 v7, $0x10;
	[tilespmem:v4+s7+$0x0] =	vst.idx.add.s32.msk $0xffff, v1  }
0xcd: {  	v4 =	vshrl.u32 v5, $0x10;
	[tilespmem:v3+s7+$0x0] =	vst.idx.add.s32.msk $0xffff, v1;
	v3 =	vand.u32 $0x7FFF, v7  }
0xce: {  	v2 =	vshrl.u32 v2, $0x10;
	v4 =	vand.u32 $0x7FFF, v4  }
0xcf: {  	v60 =	vld [tilespmem:s10+$0x130];
	v2 =	vand.u32 $0x7FFF, v2  }
0xd0: {  	v6 =	vshrl.u32 v6, $0x10;
	v5 =	vld [tilespmem:s10+$0xFFFFFE40]  }
0xd1: {  	v6 =	vand.u32 $0x7FFF, v6;
	v7 =	vshrl.u32 v8, $0x10;
	v8 =	vld [tilespmem:s10+$0xFFFFFEC0]  }
0xd2: {  	v7 =	vand.u32 $0x7FFF, v7;
	[tilespmem:v3+s7+$0x0] =	vst.idx.add.s32.msk $0xffff, v1  }
0xd3: {  	[tilespmem:v4+s7+$0x0] =	vst.idx.add.s32.msk $0xffff, v1  }
0xd4: {  	v4 =	vshrl.u32 v60, $0x10;
	[tilespmem:v2+s7+$0x0] =	vst.idx.add.s32.msk $0xffff, v1  }
0xd5: {  	v3 =	vand.u32 $0x7FFF, v4;
	v2 =	vld [tilespmem:s10+$0x1E0]  }
0xd6: {  	[tilespmem:v6+s7+$0x0] =	vst.idx.add.s32.msk $0xffff, v1  }
0xd7: {  	[tilespmem:v7+s7+$0x0] =	vst.idx.add.s32.msk $0xffff, v1  }
0xd8: {  	v5 =	vshrl.u32 v5, $0x10;
	v7 =	vshrl.u32 v8, $0x10;
	v8 =	vld [tilespmem:s10+$0x40]  }
0xd9: {  	v4 =	vld [tilespmem:s10+$0xFFFFFF40];
	v5 =	vand.u32 $0x7FFF, v5  }
0xda: {  	[tilespmem:v3+s7+$0x0] =	vst.idx.add.s32.msk $0xffff, v1;
	v2 =	vshrl.u32 v2, $0x10  }
0xdb: {  	v3 =	vld [tilespmem:s10+$0x140];
	v2 =	vand.u32 $0x7FFF, v2  }
0xdc: {  	v6 =	vld [tilespmem:s10+$0xFFFFFFC0];
	v7 =	vand.u32 $0x7FFF, v7  }
0xdd: {  	v61 =	vld [tilespmem:s10+$0xC0]  }
0xde: {  	[tilespmem:v5+s7+$0x0] =	vst.idx.add.s32.msk $0xffff, v1;
	v5 =	vshrl.u32 v8, $0x10  }
0xdf: {  	v4 =	vshrl.u32 v4, $0x10;
	v5 =	vand.u32 $0x7FFF, v5  }
0xe0: {  	v3 =	vshrl.u32 v3, $0x10;
	[tilespmem:v2+s7+$0x0] =	vst.idx.add.s32.msk $0xffff, v1;
	v2 =	vand.u32 $0x7FFF, v4  }
0xe1: {  	[tilespmem:v7+s7+$0x0] =	vst.idx.add.s32.msk $0xffff, v1;
	v4 =	vshrl.u32 v6, $0x10;
	v3 =	vand.u32 $0x7FFF, v3  }
0xe2: {  	v7 =	vld [tilespmem:s10+$0xFFFFFE50];
	v4 =	vand.u32 $0x7FFF, v4  }
0xe3: {  	v8 =	vld [tilespmem:s10+$0xFFFFFED0];
	v6 =	vshrl.u32 v61, $0x10  }
0xe4: {  	[tilespmem:v5+s7+$0x0] =	vst.idx.add.s32.msk $0xffff, v1;
	v6 =	vand.u32 $0x7FFF, v6  }
0xe5: {  	[tilespmem:v2+s7+$0x0] =	vst.idx.add.s32.msk $0xffff, v1  }
0xe6: {  	[tilespmem:v3+s7+$0x0] =	vst.idx.add.s32.msk $0xffff, v1  }
0xe7: {  	[tilespmem:v4+s7+$0x0] =	vst.idx.add.s32.msk $0xffff, v1  }
0xe8: {  	v2 =	vld [tilespmem:s10+$0xFFFFFF50]  }
0xe9: {  	[tilespmem:v6+s7+$0x0] =	vst.idx.add.s32.msk $0xffff, v1;
	v4 =	vshrl.u32 v7, $0x10  }
0xea: {  	v3 =	vand.u32 $0x7FFF, v4;
	v4 =	vshrl.u32 v8, $0x10;
	v5 =	vld [tilespmem:s10+$0xFFFFFFD0]  }
0xeb: {  	v6 =	vld [tilespmem:s10+$0x50];
	v4 =	vand.u32 $0x7FFF, v4  }
0xec: {  	v7 =	vld [tilespmem:s10+$0xD0]  }
0xed: {  	v62 =	vld [tilespmem:s10+$0x1F0];
	v2 =	vshrl.u32 v2, $0x10  }
0xee: {  	v8 =	vld [tilespmem:s10+$0x150];
	v2 =	vand.u32 $0x7FFF, v2  }
0xef: {  	[tilespmem:v3+s7+$0x0] =	vst.idx.add.s32.msk $0xffff, v1;
	v3 =	vshrl.u32 v5, $0x10  }
0xf0: {  	[tilespmem:v4+s7+$0x0] =	vst.idx.add.s32.msk $0xffff, v1;
	v3 =	vand.u32 $0x7FFF, v3;
	v4 =	vshrl.u32 v6, $0x10  }
0xf1: {  	v5 =	vld [tilespmem:s10+$0xFFFFFE60];
	v6 =	vshrl.u32 v7, $0x10;
	v4 =	vand.u32 $0x7FFF, v4  }
0xf2: {  	v7 =	vld [tilespmem:s10+$0xFFFFFEE0];
	v6 =	vand.u32 $0x7FFF, v6  }
0xf3: {  	v8 =	vshrl.u32 v8, $0x10;
	[tilespmem:v2+s7+$0x0] =	vst.idx.add.s32.msk $0xffff, v1  }
0xf4: {  	v2 =	vand.u32 $0x7FFF, v8;
	v8 =	vld [tilespmem:s10+$0xFFFFFF60]  }
0xf5: {  	[tilespmem:v3+s7+$0x0] =	vst.idx.add.s32.msk $0xffff, v1  }
0xf6: {  	[tilespmem:v4+s7+$0x0] =	vst.idx.add.s32.msk $0xffff, v1  }
0xf7: {  	v3 =	vshrl.u32 v62, $0x10;
	[tilespmem:v6+s7+$0x0] =	vst.idx.add.s32.msk $0xffff, v1  }
0xf8: {  	v3 =	vand.u32 $0x7FFF, v3;
	v4 =	vshrl.u32 v5, $0x10;
	v5 =	vld [tilespmem:s10+$0xFFFFFFE0]  }
0xf9: {  	[tilespmem:v2+s7+$0x0] =	vst.idx.add.s32.msk $0xffff, v1;
	v2 =	vand.u32 $0x7FFF, v4;
	v4 =	vshrl.u32 v7, $0x10  }
0xfa: {  	v7 =	vld [tilespmem:s10+$0x60];
	v4 =	vand.u32 $0x7FFF, v4  }
0xfb: {  	v6 =	vshrl.u32 v8, $0x10;
	v8 =	vld [tilespmem:s10+$0xE0]  }
0xfc: {  	v63 =	vld [tilespmem:s10+$0x160];
	v6 =	vand.u32 $0x7FFF, v6  }
0xfd: {  	[tilespmem:v3+s7+$0x0] =	vst.idx.add.s32.msk $0xffff, v1  }
0xfe: {  	[tilespmem:v2+s7+$0x0] =	vst.idx.add.s32.msk $0xffff, v1;
	v2 =	vshrl.u32 v5, $0x10  }
0xff: {  	v3 =	vshrl.u32 v7, $0x10;
	[tilespmem:v4+s7+$0x0] =	vst.idx.add.s32.msk $0xffff, v1;
	v2 =	vand.u32 $0x7FFF, v2  }
0x100: {  	v3 =	vand.u32 $0x7FFF, v3;
	v4 =	vshrl.u32 v8, $0x10;
	v5 =	vld [tilespmem:s10+$0xFFFFFE70]  }
0x101: {  	[tilespmem:v6+s7+$0x0] =	vst.idx.add.s32.msk $0xffff, v1;
	v4 =	vand.u32 $0x7FFF, v4  }
0x102: {  	v6 =	vshrl.u32 v63, $0x10;
	v7 =	vld [tilespmem:s10+$0xFFFFFEF0]  }
0x103: {  	v6 =	vand.u32 $0x7FFF, v6;
	v8 =	vld [tilespmem:s10+$0xFFFFFF70]  }
0x104: {  	[tilespmem:v2+s7+$0x0] =	vst.idx.add.s32.msk $0xffff, v1  }
0x105: {  	[tilespmem:v3+s7+$0x0] =	vst.idx.add.s32.msk $0xffff, v1  }
0x106: {  	[tilespmem:v4+s7+$0x0] =	vst.idx.add.s32.msk $0xffff, v1  }
0x107: {  	v3 =	vld [tilespmem:s10+$0xFFFFFFF0]  }
0x108: {  	v2 =	vshrl.u32 v5, $0x10;
	v4 =	vshrl.u32 v7, $0x10;
	[tilespmem:v6+s7+$0x0] =	vst.idx.add.s32.msk $0xffff, v1;
	v5 =	vshrl.u32 v8, $0x10  }
0x109: {  	s11 =	simm.s32 $0x0;
	s9 =	simm.s32 $0x8000;
	s12 =	simm.s32 $0x600;
	v2 =	vand.u32 $0x7FFF, v2;
	v6 =	vand.u32 $0x7FFF, v4;
	v4 =	vld [tilespmem:s10+$0x70];
	v7 =	vand.u32 $0x7FFF, v5  }
.LBB2_4:
0x10a: {  	v8 =	vld [tilespmem:s12+$0x180];
	s11 =	sadd.s32 $0x40, s11  }
0x10b: {  	v9 =	vld [tilespmem:s12+$0xFFFFFE80];
	p0 =	slt.u32 s11, $0x7C0  }
0x10c: {  	v10 =	vld [tilespmem:s12+$0xFFFFFF00]  }
0x10d: {  	v11 =	vld [tilespmem:s12+$0xFFFFFF80];
	v3 =	vshrl.u32 v3, $0x10  }
0x10e: {  	v12 =	vld [tilespmem:s12+$0x0];
	v5 =	vand.u32 $0x7FFF, v3;
	v3 =	vshrl.u32 v4, $0x10  }
0x10f: {  	v13 =	vld [tilespmem:s12+$0x80];
	v8 =	vshrl.u32 v8, $0x10;
	v4 =	vand.u32 $0x7FFF, v3  }
0x110: {  	v3 =	vshrl.u32 v9, $0x10;
	v9 =	vld [tilespmem:s12+$0x100];
	v8 =	vand.u32 $0x7FFF, v8  }
0x111: {  	v14 =	vld [tilespmem:s12+$0xFFFFFE00];
	v3 =	vand.u32 $0x7FFF, v3;
	v10 =	vshrl.u32 v10, $0x10  }
0x112: {  	v10 =	vand.u32 $0x7FFF, v10;
	v11 =	vshrl.u32 v11, $0x10;
	v15 =	vld [tilespmem:s10+$0xF0]  }
0x113: {  	v11 =	vand.u32 $0x7FFF, v11;
	v12 =	vshrl.u32 v12, $0x10;
	v16 =	vld [tilespmem:s10+$0x170];
	s10 =	smov.u32 s12  }
0x114: {  	v12 =	vand.u32 $0x7FFF, v12;
	v13 =	vshrl.u32 v13, $0x10;
	[tilespmem:v2+s7+$0x0] =	vst.idx.add.s32.msk $0xffff, v1  }
0x115: {  	v13 =	vand.u32 $0x7FFF, v13;
	v2 =	vshrl.u32 v9, $0x10;
	[tilespmem:v8+s7+$0x0] =	vst.idx.add.s32.msk $0xffff, v1  }
0x116: {  	v8 =	vshrl.u32 v14, $0x10;
	v9 =	vand.u32 $0x7FFF, v2;
	v14 =	vld [tilespmem:s12+$0x190]  }
0x117: {  	v8 =	vand.u32 $0x7FFF, v8;
	[tilespmem:v3+s7+$0x0] =	vst.idx.add.s32.msk $0xffff, v1;
	v2 =	vshrl.u32 v15, $0x10  }
0x118: {  	[tilespmem:v10+s7+$0x0] =	vst.idx.add.s32.msk $0xffff, v1;
	v3 =	vand.u32 $0x7FFF, v2;
	v2 =	vshrl.u32 v16, $0x10  }
0x119: {  	[tilespmem:v11+s7+$0x0] =	vst.idx.add.s32.msk $0xffff, v1;
	v2 =	vand.u32 $0x7FFF, v2  }
0x11a: {  	[tilespmem:v12+s7+$0x0] =	vst.idx.add.s32.msk $0xffff, v1  }
0x11b: {  	[tilespmem:v13+s7+$0x0] =	vst.idx.add.s32.msk $0xffff, v1;
	v10 =	vshrl.u32 v14, $0x10  }
0x11c: {  	[tilespmem:v8+s7+$0x0] =	vst.idx.add.s32.msk $0xffff, v1;
	v8 =	vand.u32 $0x7FFF, v10  }
0x11d: {  	[tilespmem:v9+s7+$0x0] =	vst.idx.add.s32.msk $0xffff, v1  }
0x11e: {  	v9 =	vld [tilespmem:s12+$0xFFFFFE10]  }
0x11f: {  	v10 =	vld [tilespmem:s12+$0xFFFFFE90]  }
0x120: {  	v11 =	vld [tilespmem:s12+$0xFFFFFF10]  }
0x121: {  	[tilespmem:v8+s7+$0x0] =	vst.idx.add.s32.msk $0xffff, v1  }
0x122: {  	v8 =	vld [tilespmem:s12+$0x1A0]  }
0x123: {  	v9 =	vshrl.u32 v9, $0x10;
	v12 =	vld [tilespmem:s12+$0xFFFFFF90]  }
0x124: {  	v9 =	vand.u32 $0x7FFF, v9;
	v10 =	vshrl.u32 v10, $0x10;
	v13 =	vld [tilespmem:s12+$0x10]  }
0x125: {  	v10 =	vand.u32 $0x7FFF, v10;
	v11 =	vshrl.u32 v11, $0x10;
	v14 =	vld [tilespmem:s12+$0x90]  }
0x126: {  	v11 =	vand.u32 $0x7FFF, v11;
	v15 =	vld [tilespmem:s12+$0x110]  }
0x127: {  	v8 =	vshrl.u32 v8, $0x10;
	[tilespmem:v6+s7+$0x0] =	vst.idx.add.s32.msk $0xffff, v1  }
0x128: {  	v6 =	vshrl.u32 v12, $0x10;
	v8 =	vand.u32 $0x7FFF, v8;
	[tilespmem:v7+s7+$0x0] =	vst.idx.add.s32.msk $0xffff, v1  }
0x129: {  	[tilespmem:v9+s7+$0x0] =	vst.idx.add.s32.msk $0xffff, v1;
	v6 =	vand.u32 $0x7FFF, v6;
	v7 =	vshrl.u32 v13, $0x10  }
0x12a: {  	[tilespmem:v10+s7+$0x0] =	vst.idx.add.s32.msk $0xffff, v1;
	v7 =	vand.u32 $0x7FFF, v7;
	v9 =	vshrl.u32 v14, $0x10  }
0x12b: {  	[tilespmem:v11+s7+$0x0] =	vst.idx.add.s32.msk $0xffff, v1;
	v9 =	vand.u32 $0x7FFF, v9;
	v10 =	vshrl.u32 v15, $0x10  }
0x12c: {  	v11 =	vld [tilespmem:s12+$0xFFFFFE20];
	v10 =	vand.u32 $0x7FFF, v10  }
0x12d: {  	[tilespmem:v8+s7+$0x0] =	vst.idx.add.s32.msk $0xffff, v1  }
0x12e: {  	v8 =	vld [tilespmem:s12+$0x1B0]  }
0x12f: {  	[tilespmem:v6+s7+$0x0] =	vst.idx.add.s32.msk $0xffff, v1  }
0x130: {  	[tilespmem:v7+s7+$0x0] =	vst.idx.add.s32.msk $0xffff, v1  }
0x131: {  	v6 =	vshrl.u32 v11, $0x10;
	[tilespmem:v9+s7+$0x0] =	vst.idx.add.s32.msk $0xffff, v1  }
0x132: {  	v6 =	vand.u32 $0x7FFF, v6;
	[tilespmem:v10+s7+$0x0] =	vst.idx.add.s32.msk $0xffff, v1  }
0x133: {  	v7 =	vld [tilespmem:s12+$0xFFFFFEA0];
	v8 =	vshrl.u32 v8, $0x10  }
0x134: {  	v9 =	vld [tilespmem:s12+$0xFFFFFF20];
	v8 =	vand.u32 $0x7FFF, v8  }
0x135: {  	v10 =	vld [tilespmem:s12+$0xFFFFFFA0]  }
0x136: {  	v11 =	vld [tilespmem:s12+$0x20]  }
0x137: {  	v12 =	vld [tilespmem:s12+$0xA0]  }
0x138: {  	v7 =	vshrl.u32 v7, $0x10;
	v13 =	vld [tilespmem:s12+$0x120]  }
0x139: {  	v7 =	vand.u32 $0x7FFF, v7;
	v9 =	vshrl.u32 v9, $0x10;
	[tilespmem:v8+s7+$0x0] =	vst.idx.add.s32.msk $0xffff, v1  }
0x13a: {  	v8 =	vand.u32 $0x7FFF, v9;
	v9 =	vshrl.u32 v10, $0x10;
	v10 =	vld [tilespmem:s12+$0x1C0]  }
0x13b: {  	[tilespmem:v6+s7+$0x0] =	vst.idx.add.s32.msk $0xffff, v1;
	v6 =	vand.u32 $0x7FFF, v9;
	v9 =	vshrl.u32 v11, $0x10  }
0x13c: {  	v11 =	vld [tilespmem:s12+$0xFFFFFE30];
	v9 =	vand.u32 $0x7FFF, v9;
	v12 =	vshrl.u32 v12, $0x10  }
0x13d: {  	v12 =	vand.u32 $0x7FFF, v12;
	v13 =	vshrl.u32 v13, $0x10;
	[tilespmem:v5+s7+$0x0] =	vst.idx.add.s32.msk $0xffff, v1  }
0x13e: {  	[tilespmem:v7+s7+$0x0] =	vst.idx.add.s32.msk $0xffff, v1;
	v5 =	vand.u32 $0x7FFF, v13  }
0x13f: {  	[tilespmem:v8+s7+$0x0] =	vst.idx.add.s32.msk $0xffff, v1;
	v7 =	vshrl.u32 v10, $0x10  }
0x140: {  	[tilespmem:v6+s7+$0x0] =	vst.idx.add.s32.msk $0xffff, v1;
	v6 =	vand.u32 $0x7FFF, v7  }
0x141: {  	v7 =	vshrl.u32 v11, $0x10;
	[tilespmem:v9+s7+$0x0] =	vst.idx.add.s32.msk $0xffff, v1  }
0x142: {  	v7 =	vand.u32 $0x7FFF, v7;
	[tilespmem:v12+s7+$0x0] =	vst.idx.add.s32.msk $0xffff, v1  }
0x143: {  	[tilespmem:v5+s7+$0x0] =	vst.idx.add.s32.msk $0xffff, v1  }
0x144: {  	v5 =	vld [tilespmem:s12+$0xFFFFFEB0]  }
0x145: {  	[tilespmem:v6+s7+$0x0] =	vst.idx.add.s32.msk $0xffff, v1  }
0x146: {  	v6 =	vld [tilespmem:s12+$0x1D0]  }
0x147: {  	v8 =	vld [tilespmem:s12+$0xFFFFFF30]  }
0x148: {  	v9 =	vld [tilespmem:s12+$0xFFFFFFB0]  }
0x149: {  	v5 =	vshrl.u32 v5, $0x10;
	v10 =	vld [tilespmem:s12+$0x30]  }
0x14a: {  	v5 =	vand.u32 $0x7FFF, v5;
	v11 =	vld [tilespmem:s12+$0xB0]  }
0x14b: {  	v12 =	vld [tilespmem:s12+$0x130];
	v6 =	vshrl.u32 v6, $0x10  }
0x14c: {  	[tilespmem:v7+s7+$0x0] =	vst.idx.add.s32.msk $0xffff, v1;
	v7 =	vshrl.u32 v8, $0x10;
	v6 =	vand.u32 $0x7FFF, v6  }
0x14d: {  	v8 =	vld [tilespmem:s12+$0xFFFFFE40];
	v7 =	vand.u32 $0x7FFF, v7;
	v9 =	vshrl.u32 v9, $0x10  }
0x14e: {  	v9 =	vand.u32 $0x7FFF, v9;
	v10 =	vshrl.u32 v10, $0x10;
	[tilespmem:v4+s7+$0x0] =	vst.idx.add.s32.msk $0xffff, v1  }
0x14f: {  	[tilespmem:v5+s7+$0x0] =	vst.idx.add.s32.msk $0xffff, v1;
	v4 =	vand.u32 $0x7FFF, v10;
	v5 =	vshrl.u32 v11, $0x10  }
0x150: {  	v10 =	vld [tilespmem:s12+$0xFFFFFEC0];
	v5 =	vand.u32 $0x7FFF, v5;
	v11 =	vshrl.u32 v12, $0x10  }
0x151: {  	v11 =	vand.u32 $0x7FFF, v11;
	[tilespmem:v6+s7+$0x0] =	vst.idx.add.s32.msk $0xffff, v1  }
0x152: {  	v6 =	vshrl.u32 v8, $0x10;
	v8 =	vld [tilespmem:s12+$0x1E0]  }
0x153: {  	v6 =	vand.u32 $0x7FFF, v6;
	[tilespmem:v7+s7+$0x0] =	vst.idx.add.s32.msk $0xffff, v1  }
0x154: {  	[tilespmem:v9+s7+$0x0] =	vst.idx.add.s32.msk $0xffff, v1  }
0x155: {  	v7 =	vshrl.u32 v10, $0x10;
	[tilespmem:v4+s7+$0x0] =	vst.idx.add.s32.msk $0xffff, v1  }
0x156: {  	v4 =	vand.u32 $0x7FFF, v7;
	[tilespmem:v5+s7+$0x0] =	vst.idx.add.s32.msk $0xffff, v1  }
0x157: {  	[tilespmem:v11+s7+$0x0] =	vst.idx.add.s32.msk $0xffff, v1;
	v5 =	vshrl.u32 v8, $0x10  }
0x158: {  	v7 =	vld [tilespmem:s12+$0xFFFFFF40];
	v5 =	vand.u32 $0x7FFF, v5  }
0x159: {  	v8 =	vld [tilespmem:s12+$0xFFFFFFC0]  }
0x15a: {  	v9 =	vld [tilespmem:s12+$0x40]  }
0x15b: {  	v10 =	vld [tilespmem:s12+$0xC0]  }
0x15c: {  	v11 =	vld [tilespmem:s12+$0x140]  }
0x15d: {  	v7 =	vshrl.u32 v7, $0x10;
	[tilespmem:v5+s7+$0x0] =	vst.idx.add.s32.msk $0xffff, v1  }
0x15e: {  	v5 =	vand.u32 $0x7FFF, v7;
	v7 =	vshrl.u32 v8, $0x10;
	v8 =	vld [tilespmem:s12+$0x1F0]  }
0x15f: {  	[tilespmem:v6+s7+$0x0] =	vst.idx.add.s32.msk $0xffff, v1;
	v6 =	vand.u32 $0x7FFF, v7;
	v7 =	vshrl.u32 v9, $0x10  }
0x160: {  	[tilespmem:v4+s7+$0x0] =	vst.idx.add.s32.msk $0xffff, v1;
	v4 =	vand.u32 $0x7FFF, v7;
	v7 =	vshrl.u32 v10, $0x10  }
0x161: {  	v9 =	vld [tilespmem:s12+$0xFFFFFE50];
	v7 =	vand.u32 $0x7FFF, v7;
	v10 =	vshrl.u32 v11, $0x10  }
0x162: {  	v11 =	vld [tilespmem:s12+$0xFFFFFED0];
	v10 =	vand.u32 $0x7FFF, v10  }
0x163: {  	[tilespmem:v5+s7+$0x0] =	vst.idx.add.s32.msk $0xffff, v1;
	v5 =	vshrl.u32 v8, $0x10  }
0x164: {  	[tilespmem:v6+s7+$0x0] =	vst.idx.add.s32.msk $0xffff, v1;
	v5 =	vand.u32 $0x7FFF, v5  }
0x165: {  	[tilespmem:v4+s7+$0x0] =	vst.idx.add.s32.msk $0xffff, v1  }
0x166: {  	v4 =	vshrl.u32 v9, $0x10;
	[tilespmem:v7+s7+$0x0] =	vst.idx.add.s32.msk $0xffff, v1  }
0x167: {  	v4 =	vand.u32 $0x7FFF, v4;
	v6 =	vshrl.u32 v11, $0x10;
	[tilespmem:v10+s7+$0x0] =	vst.idx.add.s32.msk $0xffff, v1  }
0x168: {  	v6 =	vand.u32 $0x7FFF, v6;
	v7 =	vld [tilespmem:s12+$0xFFFFFF50]  }
0x169: {  	[tilespmem:v5+s7+$0x0] =	vst.idx.add.s32.msk $0xffff, v1  }
0x16a: {  	v5 =	vld [tilespmem:s12+$0xFFFFFFD0]  }
0x16b: {  	v8 =	vld [tilespmem:s12+$0x50]  }
0x16c: {  	v9 =	vld [tilespmem:s12+$0xD0]  }
0x16d: {  	v7 =	vshrl.u32 v7, $0x10;
	v10 =	vld [tilespmem:s12+$0x150]  }
0x16e: {  	[tilespmem:v4+s7+$0x0] =	vst.idx.add.s32.msk $0xffff, v1;
	v4 =	vand.u32 $0x7FFF, v7  }
0x16f: {  	[tilespmem:v6+s7+$0x0] =	vst.idx.add.s32.msk $0xffff, v1;
	v5 =	vshrl.u32 v5, $0x10  }
0x170: {  	v6 =	vld [tilespmem:s12+$0xFFFFFE60];
	v5 =	vand.u32 $0x7FFF, v5;
	v7 =	vshrl.u32 v8, $0x10  }
0x171: {  	v8 =	vld [tilespmem:s12+$0xFFFFFEE0];
	v7 =	vand.u32 $0x7FFF, v7;
	v9 =	vshrl.u32 v9, $0x10  }
0x172: {  	v9 =	vand.u32 $0x7FFF, v9;
	v10 =	vshrl.u32 v10, $0x10;
	[tilespmem:v3+s7+$0x0] =	vst.idx.add.s32.msk $0xffff, v1  }
0x173: {  	[tilespmem:v4+s7+$0x0] =	vst.idx.add.s32.msk $0xffff, v1;
	v3 =	vand.u32 $0x7FFF, v10  }
0x174: {  	v4 =	vld [tilespmem:s12+$0xFFFFFF60]  }
0x175: {  	v6 =	vshrl.u32 v6, $0x10;
	[tilespmem:v5+s7+$0x0] =	vst.idx.add.s32.msk $0xffff, v1  }
0x176: {  	v5 =	vand.u32 $0x7FFF, v6;
	v6 =	vshrl.u32 v8, $0x10;
	[tilespmem:v7+s7+$0x0] =	vst.idx.add.s32.msk $0xffff, v1  }
0x177: {  	v6 =	vand.u32 $0x7FFF, v6;
	[tilespmem:v9+s7+$0x0] =	vst.idx.add.s32.msk $0xffff, v1  }
0x178: {  	[tilespmem:v3+s7+$0x0] =	vst.idx.add.s32.msk $0xffff, v1  }
0x179: {  	v3 =	vshrl.u32 v4, $0x10;
	v4 =	vld [tilespmem:s12+$0xFFFFFFE0]  }
0x17a: {  	v3 =	vand.u32 $0x7FFF, v3;
	v7 =	vld [tilespmem:s12+$0x60]  }
0x17b: {  	v8 =	vld [tilespmem:s12+$0xE0]  }
0x17c: {  	v9 =	vld [tilespmem:s12+$0x160]  }
0x17d: {  	[tilespmem:v5+s7+$0x0] =	vst.idx.add.s32.msk $0xffff, v1  }
0x17e: {  	[tilespmem:v6+s7+$0x0] =	vst.idx.add.s32.msk $0xffff, v1;
	v4 =	vshrl.u32 v4, $0x10  }
0x17f: {  	[tilespmem:v3+s7+$0x0] =	vst.idx.add.s32.msk $0xffff, v1;
	v3 =	vand.u32 $0x7FFF, v4;
	v4 =	vshrl.u32 v7, $0x10  }
0x180: {  	v5 =	vld [tilespmem:s12+$0xFFFFFE70];
	v4 =	vand.u32 $0x7FFF, v4;
	v6 =	vshrl.u32 v8, $0x10  }
0x181: {  	v7 =	vld [tilespmem:s12+$0xFFFFFEF0];
	v6 =	vand.u32 $0x7FFF, v6;
	v8 =	vshrl.u32 v9, $0x10  }
0x182: {  	v9 =	vld [tilespmem:s12+$0xFFFFFF70];
	v8 =	vand.u32 $0x7FFF, v8  }
0x183: {  	[tilespmem:v2+s7+$0x0] =	vst.idx.add.s32.msk $0xffff, v1  }
0x184: {  	[tilespmem:v3+s7+$0x0] =	vst.idx.add.s32.msk $0xffff, v1  }
.Ltmp1:
0x185: {  	v2 =	vshrl.u32 v5, $0x10;
	[tilespmem:v4+s7+$0x0] =	vst.idx.add.s32.msk $0xffff, v1;
	(pc) =	sbr.rel @p0 .LBB2_4-.Ltmp1, $4  }
0x186: {  	v2 =	vand.u32 $0x7FFF, v2;
	v3 =	vshrl.u32 v7, $0x10;
	[tilespmem:v6+s7+$0x0] =	vst.idx.add.s32.msk $0xffff, v1  }
0x187: {  	v6 =	vand.u32 $0x7FFF, v3;
	v3 =	vshrl.u32 v9, $0x10;
	[tilespmem:v8+s7+$0x0] =	vst.idx.add.s32.msk $0xffff, v1  }
0x188: {  	v7 =	vand.u32 $0x7FFF, v3;
	v3 =	vld [tilespmem:s12+$0xFFFFFFF0]  }
0x189: {  	s12 =	sadd.s32 $0x400, s12;
	v4 =	vld [tilespmem:s10+$0x70]  }
0x18a: {  	v5 =	vld [tilespmem:s10+$0xF0]  }
0x18b: {  	v8 =	vld [tilespmem:s10+$0x170];
	_ =	sdelay $0x1  }
0x18c: {  	v3 =	vshrl.u32 v3, $0x10  }
0x18d: {  	v3 =	vand.u32 $0x7FFF, v3;
	v4 =	vshrl.u32 v4, $0x10  }
0x18e: {  	v4 =	vand.u32 $0x7FFF, v4;
	v5 =	vshrl.u32 v5, $0x10  }
0x18f: {  	[tilespmem:v2+s7+$0x0] =	vst.idx.add.s32.msk $0xffff, v1;
	v2 =	vand.u32 $0x7FFF, v5;
	v5 =	vshrl.u32 v8, $0x10  }
0x190: {  	[tilespmem:v6+s7+$0x0] =	vst.idx.add.s32.msk $0xffff, v1;
	v5 =	vand.u32 $0x7FFF, v5  }
0x191: {  	[tilespmem:v7+s7+$0x0] =	vst.idx.add.s32.msk $0xffff, v1  }
0x192: {  	[tilespmem:v3+s7+$0x0] =	vst.idx.add.s32.msk $0xffff, v1  }
0x193: {  	[tilespmem:v4+s7+$0x0] =	vst.idx.add.s32.msk $0xffff, v1  }
0x194: {  	[tilespmem:v2+s7+$0x0] =	vst.idx.add.s32.msk $0xffff, v1  }
0x195: {  	[tilespmem:v5+s7+$0x0] =	vst.idx.add.s32.msk $0xffff, v1  }
0x196: {  	v2 =	vld [tilespmem:s9+$0x380];
	_ =	sdelay $0x4  }
0x197: {  	v3 =	vld [tilespmem:s9+$0x80];
	v2 =	vshrl.u32 v2, $0x10  }
0x198: {  	v4 =	vld [tilespmem:s9+$0x100];
	v2 =	vand.u32 $0x7FFF, v2  }
0x199: {  	v5 =	vld [tilespmem:s9+$0x180];
	_ =	sdelay $0x1  }
0x19a: {  	v6 =	vld [tilespmem:s9+$0x0]  }
0x19b: {  	v3 =	vshrl.u32 v3, $0x10  }
0x19c: {  	[tilespmem:v2+s7+$0x0] =	vst.idx.add.s32.msk $0xffff, v1;
	v2 =	vand.u32 $0x7FFF, v3;
	v3 =	vshrl.u32 v4, $0x10  }
0x19d: {  	v7 =	vld [tilespmem:s9+$0x200];
	v5 =	vshrl.u32 v5, $0x10;
	v3 =	vand.u32 $0x7FFF, v3  }
0x19e: {  	v5 =	vand.u32 $0x7FFF, v5  }
0x19f: {  	v6 =	vshrl.u32 v6, $0x10;
	v4 =	vld [tilespmem:s9+$0x390]  }
0x1a0: {  	v8 =	vld [tilespmem:s9+$0x280];
	v6 =	vand.u32 $0x7FFF, v6  }
0x1a1: {  	v9 =	vld [tilespmem:s9+$0x300]  }
0x1a2: {  	[tilespmem:v3+s7+$0x0] =	vst.idx.add.s32.msk $0xffff, v1;
	v3 =	vshrl.u32 v7, $0x10  }
0x1a3: {  	[tilespmem:v5+s7+$0x0] =	vst.idx.add.s32.msk $0xffff, v1;
	v3 =	vand.u32 $0x7FFF, v3  }
0x1a4: {  	[tilespmem:v2+s7+$0x0] =	vst.idx.add.s32.msk $0xffff, v1;
	v2 =	vshrl.u32 v4, $0x10  }
0x1a5: {  	[tilespmem:v6+s7+$0x0] =	vst.idx.add.s32.msk $0xffff, v1;
	v2 =	vand.u32 $0x7FFF, v2  }
0x1a6: {  	v4 =	vshrl.u32 v8, $0x10;
	v6 =	vld [tilespmem:s9+$0x90]  }
0x1a7: {  	v5 =	vld [tilespmem:s9+$0x10];
	v4 =	vand.u32 $0x7FFF, v4  }
0x1a8: {  	v7 =	vshrl.u32 v9, $0x10;
	[tilespmem:v3+s7+$0x0] =	vst.idx.add.s32.msk $0xffff, v1  }
0x1a9: {  	v3 =	vand.u32 $0x7FFF, v7;
	v7 =	vld [tilespmem:s9+$0x110]  }
0x1aa: {  	[tilespmem:v2+s7+$0x0] =	vst.idx.add.s32.msk $0xffff, v1  }
0x1ab: {  	v6 =	vshrl.u32 v6, $0x10;
	v2 =	vld [tilespmem:s9+$0x3A0]  }
0x1ac: {  	[tilespmem:v4+s7+$0x0] =	vst.idx.add.s32.msk $0xffff, v1;
	v6 =	vand.u32 $0x7FFF, v6  }
0x1ad: {  	v4 =	vshrl.u32 v5, $0x10;
	v5 =	vld [tilespmem:s9+$0x190]  }
0x1ae: {  	v4 =	vand.u32 $0x7FFF, v4;
	[tilespmem:v3+s7+$0x0] =	vst.idx.add.s32.msk $0xffff, v1;
	v3 =	vshrl.u32 v7, $0x10  }
0x1af: {  	v8 =	vld [tilespmem:s9+$0x210];
	v3 =	vand.u32 $0x7FFF, v3  }
0x1b0: {  	v57 =	vld [tilespmem:s9+$0x290];
	v2 =	vshrl.u32 v2, $0x10  }
0x1b1: {  	[tilespmem:v6+s7+$0x0] =	vst.idx.add.s32.msk $0xffff, v1;
	v2 =	vand.u32 $0x7FFF, v2  }
0x1b2: {  	v5 =	vshrl.u32 v5, $0x10;
	v7 =	vld [tilespmem:s9+$0x310]  }
0x1b3: {  	[tilespmem:v4+s7+$0x0] =	vst.idx.add.s32.msk $0xffff, v1;
	v4 =	vand.u32 $0x7FFF, v5  }
0x1b4: {  	v5 =	vshrl.u32 v8, $0x10;
	[tilespmem:v3+s7+$0x0] =	vst.idx.add.s32.msk $0xffff, v1  }
0x1b5: {  	v5 =	vand.u32 $0x7FFF, v5;
	v3 =	vld [tilespmem:s9+$0x20]  }
0x1b6: {  	v6 =	vshrl.u32 v57, $0x10;
	[tilespmem:v2+s7+$0x0] =	vst.idx.add.s32.msk $0xffff, v1  }
0x1b7: {  	v2 =	vand.u32 $0x7FFF, v6;
	v6 =	vld [tilespmem:s9+$0x3B0]  }
0x1b8: {  	[tilespmem:v4+s7+$0x0] =	vst.idx.add.s32.msk $0xffff, v1  }
0x1b9: {  	v4 =	vld [tilespmem:s9+$0xA0]  }
0x1ba: {  	[tilespmem:v5+s7+$0x0] =	vst.idx.add.s32.msk $0xffff, v1;
	v5 =	vshrl.u32 v7, $0x10  }
0x1bb: {  	v5 =	vand.u32 $0x7FFF, v5;
	v8 =	vld [tilespmem:s9+$0x220];
	v3 =	vshrl.u32 v3, $0x10  }
0x1bc: {  	[tilespmem:v2+s7+$0x0] =	vst.idx.add.s32.msk $0xffff, v1;
	v3 =	vand.u32 $0x7FFF, v3;
	v2 =	vshrl.u32 v6, $0x10  }
0x1bd: {  	v7 =	vld [tilespmem:s9+$0x1A0];
	v2 =	vand.u32 $0x7FFF, v2  }
0x1be: {  	v6 =	vld [tilespmem:s9+$0x120]  }
0x1bf: {  	v58 =	vld [tilespmem:s9+$0x2A0]  }
0x1c0: {  	[tilespmem:v5+s7+$0x0] =	vst.idx.add.s32.msk $0xffff, v1  }
0x1c1: {  	v8 =	vshrl.u32 v8, $0x10;
	[tilespmem:v3+s7+$0x0] =	vst.idx.add.s32.msk $0xffff, v1  }
0x1c2: {  	v4 =	vshrl.u32 v4, $0x10;
	v3 =	vand.u32 $0x7FFF, v8;
	[tilespmem:v2+s7+$0x0] =	vst.idx.add.s32.msk $0xffff, v1  }
0x1c3: {  	v2 =	vand.u32 $0x7FFF, v4;
	v4 =	vshrl.u32 v6, $0x10;
	v6 =	vld [tilespmem:s9+$0x3C0]  }
0x1c4: {  	v5 =	vshrl.u32 v7, $0x10;
	v7 =	vld [tilespmem:s9+$0x320];
	v4 =	vand.u32 $0x7FFF, v4;
	_ =	sdelay $0x1  }
0x1c5: {  	v5 =	vand.u32 $0x7FFF, v5;
	v8 =	vshrl.u32 v58, $0x10;
	v59 =	vld [tilespmem:s9+$0x30]  }
0x1c6: {  	v8 =	vand.u32 $0x7FFF, v8;
	[tilespmem:v3+s7+$0x0] =	vst.idx.add.s32.msk $0xffff, v1  }
0x1c7: {  	[tilespmem:v2+s7+$0x0] =	vst.idx.add.s32.msk $0xffff, v1;
	v2 =	vshrl.u32 v6, $0x10  }
0x1c8: {  	[tilespmem:v4+s7+$0x0] =	vst.idx.add.s32.msk $0xffff, v1;
	v4 =	vshrl.u32 v7, $0x10;
	v2 =	vand.u32 $0x7FFF, v2  }
0x1c9: {  	v3 =	vld [tilespmem:s9+$0xB0];
	v4 =	vand.u32 $0x7FFF, v4  }
0x1ca: {  	[tilespmem:v5+s7+$0x0] =	vst.idx.add.s32.msk $0xffff, v1  }
0x1cb: {  	[tilespmem:v8+s7+$0x0] =	vst.idx.add.s32.msk $0xffff, v1  }
0x1cc: {  	v7 =	vld [tilespmem:s9+$0x230]  }
0x1cd: {  	v5 =	vshrl.u32 v59, $0x10;
	[tilespmem:v2+s7+$0x0] =	vst.idx.add.s32.msk $0xffff, v1  }
0x1ce: {  	v3 =	vshrl.u32 v3, $0x10;
	[tilespmem:v4+s7+$0x0] =	vst.idx.add.s32.msk $0xffff, v1;
	v4 =	vand.u32 $0x7FFF, v5  }
0x1cf: {  	v5 =	vld [tilespmem:s9+$0x130];
	v3 =	vand.u32 $0x7FFF, v3  }
0x1d0: {  	v2 =	vld [tilespmem:s9+$0x3D0]  }
0x1d1: {  	v6 =	vld [tilespmem:s9+$0x1B0]  }
0x1d2: {  	v8 =	vld [tilespmem:s9+$0x2B0]  }
0x1d3: {  	v7 =	vshrl.u32 v7, $0x10;
	[tilespmem:v4+s7+$0x0] =	vst.idx.add.s32.msk $0xffff, v1  }
0x1d4: {  	v4 =	vshrl.u32 v5, $0x10;
	[tilespmem:v3+s7+$0x0] =	vst.idx.add.s32.msk $0xffff, v1;
	v3 =	vand.u32 $0x7FFF, v7  }
0x1d5: {  	v2 =	vshrl.u32 v2, $0x10;
	v4 =	vand.u32 $0x7FFF, v4  }
0x1d6: {  	v60 =	vld [tilespmem:s9+$0x330];
	v2 =	vand.u32 $0x7FFF, v2  }
0x1d7: {  	v6 =	vshrl.u32 v6, $0x10;
	v5 =	vld [tilespmem:s9+$0x40]  }
0x1d8: {  	v6 =	vand.u32 $0x7FFF, v6;
	v7 =	vshrl.u32 v8, $0x10;
	v8 =	vld [tilespmem:s9+$0xC0]  }
0x1d9: {  	v7 =	vand.u32 $0x7FFF, v7;
	[tilespmem:v3+s7+$0x0] =	vst.idx.add.s32.msk $0xffff, v1  }
0x1da: {  	[tilespmem:v4+s7+$0x0] =	vst.idx.add.s32.msk $0xffff, v1  }
0x1db: {  	v4 =	vshrl.u32 v60, $0x10;
	[tilespmem:v2+s7+$0x0] =	vst.idx.add.s32.msk $0xffff, v1  }
0x1dc: {  	v3 =	vand.u32 $0x7FFF, v4;
	v2 =	vld [tilespmem:s9+$0x3E0]  }
0x1dd: {  	[tilespmem:v6+s7+$0x0] =	vst.idx.add.s32.msk $0xffff, v1  }
0x1de: {  	[tilespmem:v7+s7+$0x0] =	vst.idx.add.s32.msk $0xffff, v1  }
0x1df: {  	v5 =	vshrl.u32 v5, $0x10;
	v7 =	vshrl.u32 v8, $0x10;
	v8 =	vld [tilespmem:s9+$0x240]  }
0x1e0: {  	v4 =	vld [tilespmem:s9+$0x140];
	v5 =	vand.u32 $0x7FFF, v5  }
0x1e1: {  	[tilespmem:v3+s7+$0x0] =	vst.idx.add.s32.msk $0xffff, v1;
	v2 =	vshrl.u32 v2, $0x10  }
0x1e2: {  	v3 =	vld [tilespmem:s9+$0x340];
	v2 =	vand.u32 $0x7FFF, v2  }
0x1e3: {  	v6 =	vld [tilespmem:s9+$0x1C0];
	v7 =	vand.u32 $0x7FFF, v7  }
0x1e4: {  	v61 =	vld [tilespmem:s9+$0x2C0]  }
0x1e5: {  	[tilespmem:v5+s7+$0x0] =	vst.idx.add.s32.msk $0xffff, v1;
	v5 =	vshrl.u32 v8, $0x10  }
0x1e6: {  	v4 =	vshrl.u32 v4, $0x10;
	v5 =	vand.u32 $0x7FFF, v5  }
0x1e7: {  	v3 =	vshrl.u32 v3, $0x10;
	[tilespmem:v2+s7+$0x0] =	vst.idx.add.s32.msk $0xffff, v1;
	v2 =	vand.u32 $0x7FFF, v4  }
0x1e8: {  	[tilespmem:v7+s7+$0x0] =	vst.idx.add.s32.msk $0xffff, v1;
	v4 =	vshrl.u32 v6, $0x10;
	v3 =	vand.u32 $0x7FFF, v3  }
0x1e9: {  	v7 =	vld [tilespmem:s9+$0x50];
	v4 =	vand.u32 $0x7FFF, v4  }
0x1ea: {  	v8 =	vld [tilespmem:s9+$0xD0];
	v6 =	vshrl.u32 v61, $0x10  }
0x1eb: {  	[tilespmem:v5+s7+$0x0] =	vst.idx.add.s32.msk $0xffff, v1;
	v6 =	vand.u32 $0x7FFF, v6  }
0x1ec: {  	[tilespmem:v2+s7+$0x0] =	vst.idx.add.s32.msk $0xffff, v1  }
0x1ed: {  	[tilespmem:v3+s7+$0x0] =	vst.idx.add.s32.msk $0xffff, v1  }
0x1ee: {  	[tilespmem:v4+s7+$0x0] =	vst.idx.add.s32.msk $0xffff, v1  }
0x1ef: {  	v2 =	vld [tilespmem:s9+$0x150]  }
0x1f0: {  	[tilespmem:v6+s7+$0x0] =	vst.idx.add.s32.msk $0xffff, v1;
	v4 =	vshrl.u32 v7, $0x10  }
0x1f1: {  	v3 =	vand.u32 $0x7FFF, v4;
	v4 =	vshrl.u32 v8, $0x10;
	v5 =	vld [tilespmem:s9+$0x1D0]  }
0x1f2: {  	v6 =	vld [tilespmem:s9+$0x250];
	v4 =	vand.u32 $0x7FFF, v4  }
0x1f3: {  	v7 =	vld [tilespmem:s9+$0x2D0]  }
0x1f4: {  	v62 =	vld [tilespmem:s9+$0x3F0];
	v2 =	vshrl.u32 v2, $0x10  }
0x1f5: {  	v8 =	vld [tilespmem:s9+$0x350];
	v2 =	vand.u32 $0x7FFF, v2  }
0x1f6: {  	[tilespmem:v3+s7+$0x0] =	vst.idx.add.s32.msk $0xffff, v1;
	v3 =	vshrl.u32 v5, $0x10  }
0x1f7: {  	[tilespmem:v4+s7+$0x0] =	vst.idx.add.s32.msk $0xffff, v1;
	v3 =	vand.u32 $0x7FFF, v3;
	v4 =	vshrl.u32 v6, $0x10  }
0x1f8: {  	v5 =	vld [tilespmem:s9+$0x60];
	v6 =	vshrl.u32 v7, $0x10;
	v4 =	vand.u32 $0x7FFF, v4  }
0x1f9: {  	v7 =	vld [tilespmem:s9+$0xE0];
	v6 =	vand.u32 $0x7FFF, v6  }
0x1fa: {  	v8 =	vshrl.u32 v8, $0x10;
	[tilespmem:v2+s7+$0x0] =	vst.idx.add.s32.msk $0xffff, v1  }
0x1fb: {  	v2 =	vand.u32 $0x7FFF, v8;
	v8 =	vld [tilespmem:s9+$0x160]  }
0x1fc: {  	[tilespmem:v3+s7+$0x0] =	vst.idx.add.s32.msk $0xffff, v1  }
0x1fd: {  	[tilespmem:v4+s7+$0x0] =	vst.idx.add.s32.msk $0xffff, v1  }
0x1fe: {  	v3 =	vshrl.u32 v62, $0x10;
	[tilespmem:v6+s7+$0x0] =	vst.idx.add.s32.msk $0xffff, v1  }
0x1ff: {  	v3 =	vand.u32 $0x7FFF, v3;
	v4 =	vshrl.u32 v5, $0x10;
	v5 =	vld [tilespmem:s9+$0x1E0]  }
0x200: {  	[tilespmem:v2+s7+$0x0] =	vst.idx.add.s32.msk $0xffff, v1;
	v2 =	vand.u32 $0x7FFF, v4;
	v4 =	vshrl.u32 v7, $0x10  }
0x201: {  	v7 =	vld [tilespmem:s9+$0x260];
	v4 =	vand.u32 $0x7FFF, v4  }
0x202: {  	v6 =	vshrl.u32 v8, $0x10;
	v8 =	vld [tilespmem:s9+$0x2E0]  }
0x203: {  	v63 =	vld [tilespmem:s9+$0x360];
	v6 =	vand.u32 $0x7FFF, v6  }
0x204: {  	[tilespmem:v3+s7+$0x0] =	vst.idx.add.s32.msk $0xffff, v1  }
0x205: {  	[tilespmem:v2+s7+$0x0] =	vst.idx.add.s32.msk $0xffff, v1;
	v2 =	vshrl.u32 v5, $0x10  }
0x206: {  	v3 =	vshrl.u32 v7, $0x10;
	[tilespmem:v4+s7+$0x0] =	vst.idx.add.s32.msk $0xffff, v1;
	v2 =	vand.u32 $0x7FFF, v2  }
0x207: {  	v3 =	vand.u32 $0x7FFF, v3;
	v4 =	vshrl.u32 v8, $0x10;
	v5 =	vld [tilespmem:s9+$0x70]  }
0x208: {  	[tilespmem:v6+s7+$0x0] =	vst.idx.add.s32.msk $0xffff, v1;
	v4 =	vand.u32 $0x7FFF, v4  }
0x209: {  	v6 =	vshrl.u32 v63, $0x10;
	v7 =	vld [tilespmem:s9+$0xF0]  }
0x20a: {  	v6 =	vand.u32 $0x7FFF, v6;
	v8 =	vld [tilespmem:s9+$0x170]  }
0x20b: {  	[tilespmem:v2+s7+$0x0] =	vst.idx.add.s32.msk $0xffff, v1  }
0x20c: {  	[tilespmem:v3+s7+$0x0] =	vst.idx.add.s32.msk $0xffff, v1  }
0x20d: {  	[tilespmem:v4+s7+$0x0] =	vst.idx.add.s32.msk $0xffff, v1  }
0x20e: {  	v3 =	vld [tilespmem:s9+$0x1F0]  }
0x20f: {  	v2 =	vshrl.u32 v5, $0x10;
	v4 =	vshrl.u32 v7, $0x10;
	[tilespmem:v6+s7+$0x0] =	vst.idx.add.s32.msk $0xffff, v1;
	v5 =	vshrl.u32 v8, $0x10  }
0x210: {  	s10 =	simm.s32 $0x0;
	s11 =	simm.s32 $0x8400;
	v2 =	vand.u32 $0x7FFF, v2;
	v6 =	vand.u32 $0x7FFF, v4;
	v4 =	vld [tilespmem:s9+$0x270];
	v7 =	vand.u32 $0x7FFF, v5  }
.LBB2_6:
0x211: {  	v8 =	vld [tilespmem:s11+$0x380];
	s10 =	sadd.s32 $0x40, s10  }
0x212: {  	v9 =	vld [tilespmem:s11+$0x80];
	p0 =	slt.u32 s10, $0x7C0  }
0x213: {  	v10 =	vld [tilespmem:s11+$0x100]  }
0x214: {  	v11 =	vld [tilespmem:s11+$0x180];
	v3 =	vshrl.u32 v3, $0x10  }
0x215: {  	v12 =	vld [tilespmem:s11+$0x200];
	v5 =	vand.u32 $0x7FFF, v3;
	v3 =	vshrl.u32 v4, $0x10  }
0x216: {  	v13 =	vld [tilespmem:s11+$0x280];
	v8 =	vshrl.u32 v8, $0x10;
	v4 =	vand.u32 $0x7FFF, v3  }
0x217: {  	v3 =	vshrl.u32 v9, $0x10;
	v9 =	vld [tilespmem:s11+$0x300];
	v8 =	vand.u32 $0x7FFF, v8  }
0x218: {  	v14 =	vld [tilespmem:s11+$0x0];
	v3 =	vand.u32 $0x7FFF, v3;
	v10 =	vshrl.u32 v10, $0x10  }
0x219: {  	v10 =	vand.u32 $0x7FFF, v10;
	v11 =	vshrl.u32 v11, $0x10;
	v15 =	vld [tilespmem:s9+$0x2F0]  }
0x21a: {  	v11 =	vand.u32 $0x7FFF, v11;
	v12 =	vshrl.u32 v12, $0x10;
	v16 =	vld [tilespmem:s9+$0x370];
	s9 =	smov.u32 s11  }
0x21b: {  	v12 =	vand.u32 $0x7FFF, v12;
	v13 =	vshrl.u32 v13, $0x10;
	[tilespmem:v2+s7+$0x0] =	vst.idx.add.s32.msk $0xffff, v1  }
0x21c: {  	v13 =	vand.u32 $0x7FFF, v13;
	v2 =	vshrl.u32 v9, $0x10;
	[tilespmem:v8+s7+$0x0] =	vst.idx.add.s32.msk $0xffff, v1  }
0x21d: {  	v8 =	vshrl.u32 v14, $0x10;
	v9 =	vand.u32 $0x7FFF, v2;
	v14 =	vld [tilespmem:s11+$0x390]  }
0x21e: {  	v8 =	vand.u32 $0x7FFF, v8;
	[tilespmem:v3+s7+$0x0] =	vst.idx.add.s32.msk $0xffff, v1;
	v2 =	vshrl.u32 v15, $0x10  }
0x21f: {  	[tilespmem:v10+s7+$0x0] =	vst.idx.add.s32.msk $0xffff, v1;
	v3 =	vand.u32 $0x7FFF, v2;
	v2 =	vshrl.u32 v16, $0x10  }
0x220: {  	[tilespmem:v11+s7+$0x0] =	vst.idx.add.s32.msk $0xffff, v1;
	v2 =	vand.u32 $0x7FFF, v2  }
0x221: {  	[tilespmem:v12+s7+$0x0] =	vst.idx.add.s32.msk $0xffff, v1  }
0x222: {  	[tilespmem:v13+s7+$0x0] =	vst.idx.add.s32.msk $0xffff, v1;
	v10 =	vshrl.u32 v14, $0x10  }
0x223: {  	[tilespmem:v8+s7+$0x0] =	vst.idx.add.s32.msk $0xffff, v1;
	v8 =	vand.u32 $0x7FFF, v10  }
0x224: {  	[tilespmem:v9+s7+$0x0] =	vst.idx.add.s32.msk $0xffff, v1  }
0x225: {  	v9 =	vld [tilespmem:s11+$0x10]  }
0x226: {  	v10 =	vld [tilespmem:s11+$0x90]  }
0x227: {  	v11 =	vld [tilespmem:s11+$0x110]  }
0x228: {  	[tilespmem:v8+s7+$0x0] =	vst.idx.add.s32.msk $0xffff, v1  }
0x229: {  	v8 =	vld [tilespmem:s11+$0x3A0]  }
0x22a: {  	v9 =	vshrl.u32 v9, $0x10;
	v12 =	vld [tilespmem:s11+$0x190]  }
0x22b: {  	v9 =	vand.u32 $0x7FFF, v9;
	v10 =	vshrl.u32 v10, $0x10;
	v13 =	vld [tilespmem:s11+$0x210]  }
0x22c: {  	v10 =	vand.u32 $0x7FFF, v10;
	v11 =	vshrl.u32 v11, $0x10;
	v14 =	vld [tilespmem:s11+$0x290]  }
0x22d: {  	v11 =	vand.u32 $0x7FFF, v11;
	v15 =	vld [tilespmem:s11+$0x310]  }
0x22e: {  	v8 =	vshrl.u32 v8, $0x10;
	[tilespmem:v6+s7+$0x0] =	vst.idx.add.s32.msk $0xffff, v1  }
0x22f: {  	v6 =	vshrl.u32 v12, $0x10;
	v8 =	vand.u32 $0x7FFF, v8;
	[tilespmem:v7+s7+$0x0] =	vst.idx.add.s32.msk $0xffff, v1  }
0x230: {  	[tilespmem:v9+s7+$0x0] =	vst.idx.add.s32.msk $0xffff, v1;
	v6 =	vand.u32 $0x7FFF, v6;
	v7 =	vshrl.u32 v13, $0x10  }
0x231: {  	[tilespmem:v10+s7+$0x0] =	vst.idx.add.s32.msk $0xffff, v1;
	v7 =	vand.u32 $0x7FFF, v7;
	v9 =	vshrl.u32 v14, $0x10  }
0x232: {  	[tilespmem:v11+s7+$0x0] =	vst.idx.add.s32.msk $0xffff, v1;
	v9 =	vand.u32 $0x7FFF, v9;
	v10 =	vshrl.u32 v15, $0x10  }
0x233: {  	v11 =	vld [tilespmem:s11+$0x20];
	v10 =	vand.u32 $0x7FFF, v10  }
0x234: {  	[tilespmem:v8+s7+$0x0] =	vst.idx.add.s32.msk $0xffff, v1  }
0x235: {  	v8 =	vld [tilespmem:s11+$0x3B0]  }
0x236: {  	[tilespmem:v6+s7+$0x0] =	vst.idx.add.s32.msk $0xffff, v1  }
0x237: {  	[tilespmem:v7+s7+$0x0] =	vst.idx.add.s32.msk $0xffff, v1  }
0x238: {  	v6 =	vshrl.u32 v11, $0x10;
	[tilespmem:v9+s7+$0x0] =	vst.idx.add.s32.msk $0xffff, v1  }
0x239: {  	v6 =	vand.u32 $0x7FFF, v6;
	[tilespmem:v10+s7+$0x0] =	vst.idx.add.s32.msk $0xffff, v1  }
0x23a: {  	v7 =	vld [tilespmem:s11+$0xA0];
	v8 =	vshrl.u32 v8, $0x10  }
0x23b: {  	v9 =	vld [tilespmem:s11+$0x120];
	v8 =	vand.u32 $0x7FFF, v8  }
0x23c: {  	v10 =	vld [tilespmem:s11+$0x1A0]  }
0x23d: {  	v11 =	vld [tilespmem:s11+$0x220]  }
0x23e: {  	v12 =	vld [tilespmem:s11+$0x2A0]  }
0x23f: {  	v7 =	vshrl.u32 v7, $0x10;
	v13 =	vld [tilespmem:s11+$0x320]  }
0x240: {  	v7 =	vand.u32 $0x7FFF, v7;
	v9 =	vshrl.u32 v9, $0x10;
	[tilespmem:v8+s7+$0x0] =	vst.idx.add.s32.msk $0xffff, v1  }
0x241: {  	v8 =	vand.u32 $0x7FFF, v9;
	v9 =	vshrl.u32 v10, $0x10;
	v10 =	vld [tilespmem:s11+$0x3C0]  }
0x242: {  	[tilespmem:v6+s7+$0x0] =	vst.idx.add.s32.msk $0xffff, v1;
	v6 =	vand.u32 $0x7FFF, v9;
	v9 =	vshrl.u32 v11, $0x10  }
0x243: {  	v11 =	vld [tilespmem:s11+$0x30];
	v9 =	vand.u32 $0x7FFF, v9;
	v12 =	vshrl.u32 v12, $0x10  }
0x244: {  	v12 =	vand.u32 $0x7FFF, v12;
	v13 =	vshrl.u32 v13, $0x10;
	[tilespmem:v5+s7+$0x0] =	vst.idx.add.s32.msk $0xffff, v1  }
0x245: {  	[tilespmem:v7+s7+$0x0] =	vst.idx.add.s32.msk $0xffff, v1;
	v5 =	vand.u32 $0x7FFF, v13  }
0x246: {  	[tilespmem:v8+s7+$0x0] =	vst.idx.add.s32.msk $0xffff, v1;
	v7 =	vshrl.u32 v10, $0x10  }
0x247: {  	[tilespmem:v6+s7+$0x0] =	vst.idx.add.s32.msk $0xffff, v1;
	v6 =	vand.u32 $0x7FFF, v7  }
0x248: {  	v7 =	vshrl.u32 v11, $0x10;
	[tilespmem:v9+s7+$0x0] =	vst.idx.add.s32.msk $0xffff, v1  }
0x249: {  	v7 =	vand.u32 $0x7FFF, v7;
	[tilespmem:v12+s7+$0x0] =	vst.idx.add.s32.msk $0xffff, v1  }
0x24a: {  	[tilespmem:v5+s7+$0x0] =	vst.idx.add.s32.msk $0xffff, v1  }
0x24b: {  	v5 =	vld [tilespmem:s11+$0xB0]  }
0x24c: {  	[tilespmem:v6+s7+$0x0] =	vst.idx.add.s32.msk $0xffff, v1  }
0x24d: {  	v6 =	vld [tilespmem:s11+$0x3D0]  }
0x24e: {  	v8 =	vld [tilespmem:s11+$0x130]  }
0x24f: {  	v9 =	vld [tilespmem:s11+$0x1B0]  }
0x250: {  	v5 =	vshrl.u32 v5, $0x10;
	v10 =	vld [tilespmem:s11+$0x230]  }
0x251: {  	v5 =	vand.u32 $0x7FFF, v5;
	v11 =	vld [tilespmem:s11+$0x2B0]  }
0x252: {  	v12 =	vld [tilespmem:s11+$0x330];
	v6 =	vshrl.u32 v6, $0x10  }
0x253: {  	[tilespmem:v7+s7+$0x0] =	vst.idx.add.s32.msk $0xffff, v1;
	v7 =	vshrl.u32 v8, $0x10;
	v6 =	vand.u32 $0x7FFF, v6  }
0x254: {  	v8 =	vld [tilespmem:s11+$0x40];
	v7 =	vand.u32 $0x7FFF, v7;
	v9 =	vshrl.u32 v9, $0x10  }
0x255: {  	v9 =	vand.u32 $0x7FFF, v9;
	v10 =	vshrl.u32 v10, $0x10;
	[tilespmem:v4+s7+$0x0] =	vst.idx.add.s32.msk $0xffff, v1  }
0x256: {  	[tilespmem:v5+s7+$0x0] =	vst.idx.add.s32.msk $0xffff, v1;
	v4 =	vand.u32 $0x7FFF, v10;
	v5 =	vshrl.u32 v11, $0x10  }
0x257: {  	v10 =	vld [tilespmem:s11+$0xC0];
	v5 =	vand.u32 $0x7FFF, v5;
	v11 =	vshrl.u32 v12, $0x10  }
0x258: {  	v11 =	vand.u32 $0x7FFF, v11;
	[tilespmem:v6+s7+$0x0] =	vst.idx.add.s32.msk $0xffff, v1  }
0x259: {  	v6 =	vshrl.u32 v8, $0x10;
	v8 =	vld [tilespmem:s11+$0x3E0]  }
0x25a: {  	v6 =	vand.u32 $0x7FFF, v6;
	[tilespmem:v7+s7+$0x0] =	vst.idx.add.s32.msk $0xffff, v1  }
0x25b: {  	[tilespmem:v9+s7+$0x0] =	vst.idx.add.s32.msk $0xffff, v1  }
0x25c: {  	v7 =	vshrl.u32 v10, $0x10;
	[tilespmem:v4+s7+$0x0] =	vst.idx.add.s32.msk $0xffff, v1  }
0x25d: {  	v4 =	vand.u32 $0x7FFF, v7;
	[tilespmem:v5+s7+$0x0] =	vst.idx.add.s32.msk $0xffff, v1  }
0x25e: {  	[tilespmem:v11+s7+$0x0] =	vst.idx.add.s32.msk $0xffff, v1;
	v5 =	vshrl.u32 v8, $0x10  }
0x25f: {  	v7 =	vld [tilespmem:s11+$0x140];
	v5 =	vand.u32 $0x7FFF, v5  }
0x260: {  	v8 =	vld [tilespmem:s11+$0x1C0]  }
0x261: {  	v9 =	vld [tilespmem:s11+$0x240]  }
0x262: {  	v10 =	vld [tilespmem:s11+$0x2C0]  }
0x263: {  	v11 =	vld [tilespmem:s11+$0x340]  }
0x264: {  	v7 =	vshrl.u32 v7, $0x10;
	[tilespmem:v5+s7+$0x0] =	vst.idx.add.s32.msk $0xffff, v1  }
0x265: {  	v5 =	vand.u32 $0x7FFF, v7;
	v7 =	vshrl.u32 v8, $0x10;
	v8 =	vld [tilespmem:s11+$0x3F0]  }
0x266: {  	[tilespmem:v6+s7+$0x0] =	vst.idx.add.s32.msk $0xffff, v1;
	v6 =	vand.u32 $0x7FFF, v7;
	v7 =	vshrl.u32 v9, $0x10  }
0x267: {  	[tilespmem:v4+s7+$0x0] =	vst.idx.add.s32.msk $0xffff, v1;
	v4 =	vand.u32 $0x7FFF, v7;
	v7 =	vshrl.u32 v10, $0x10  }
0x268: {  	v9 =	vld [tilespmem:s11+$0x50];
	v7 =	vand.u32 $0x7FFF, v7;
	v10 =	vshrl.u32 v11, $0x10  }
0x269: {  	v11 =	vld [tilespmem:s11+$0xD0];
	v10 =	vand.u32 $0x7FFF, v10  }
0x26a: {  	[tilespmem:v5+s7+$0x0] =	vst.idx.add.s32.msk $0xffff, v1;
	v5 =	vshrl.u32 v8, $0x10  }
0x26b: {  	[tilespmem:v6+s7+$0x0] =	vst.idx.add.s32.msk $0xffff, v1;
	v5 =	vand.u32 $0x7FFF, v5  }
0x26c: {  	[tilespmem:v4+s7+$0x0] =	vst.idx.add.s32.msk $0xffff, v1  }
0x26d: {  	v4 =	vshrl.u32 v9, $0x10;
	[tilespmem:v7+s7+$0x0] =	vst.idx.add.s32.msk $0xffff, v1  }
0x26e: {  	v4 =	vand.u32 $0x7FFF, v4;
	v6 =	vshrl.u32 v11, $0x10;
	[tilespmem:v10+s7+$0x0] =	vst.idx.add.s32.msk $0xffff, v1  }
0x26f: {  	v6 =	vand.u32 $0x7FFF, v6;
	v7 =	vld [tilespmem:s11+$0x150]  }
0x270: {  	[tilespmem:v5+s7+$0x0] =	vst.idx.add.s32.msk $0xffff, v1  }
0x271: {  	v5 =	vld [tilespmem:s11+$0x1D0]  }
0x272: {  	v8 =	vld [tilespmem:s11+$0x250]  }
0x273: {  	v9 =	vld [tilespmem:s11+$0x2D0]  }
0x274: {  	v7 =	vshrl.u32 v7, $0x10;
	v10 =	vld [tilespmem:s11+$0x350]  }
0x275: {  	[tilespmem:v4+s7+$0x0] =	vst.idx.add.s32.msk $0xffff, v1;
	v4 =	vand.u32 $0x7FFF, v7  }
0x276: {  	[tilespmem:v6+s7+$0x0] =	vst.idx.add.s32.msk $0xffff, v1;
	v5 =	vshrl.u32 v5, $0x10  }
0x277: {  	v6 =	vld [tilespmem:s11+$0x60];
	v5 =	vand.u32 $0x7FFF, v5;
	v7 =	vshrl.u32 v8, $0x10  }
0x278: {  	v8 =	vld [tilespmem:s11+$0xE0];
	v7 =	vand.u32 $0x7FFF, v7;
	v9 =	vshrl.u32 v9, $0x10  }
0x279: {  	v9 =	vand.u32 $0x7FFF, v9;
	v10 =	vshrl.u32 v10, $0x10;
	[tilespmem:v3+s7+$0x0] =	vst.idx.add.s32.msk $0xffff, v1  }
0x27a: {  	[tilespmem:v4+s7+$0x0] =	vst.idx.add.s32.msk $0xffff, v1;
	v3 =	vand.u32 $0x7FFF, v10  }
0x27b: {  	v4 =	vld [tilespmem:s11+$0x160]  }
0x27c: {  	v6 =	vshrl.u32 v6, $0x10;
	[tilespmem:v5+s7+$0x0] =	vst.idx.add.s32.msk $0xffff, v1  }
0x27d: {  	v5 =	vand.u32 $0x7FFF, v6;
	v6 =	vshrl.u32 v8, $0x10;
	[tilespmem:v7+s7+$0x0] =	vst.idx.add.s32.msk $0xffff, v1  }
0x27e: {  	v6 =	vand.u32 $0x7FFF, v6;
	[tilespmem:v9+s7+$0x0] =	vst.idx.add.s32.msk $0xffff, v1  }
0x27f: {  	[tilespmem:v3+s7+$0x0] =	vst.idx.add.s32.msk $0xffff, v1  }
0x280: {  	v3 =	vshrl.u32 v4, $0x10;
	v4 =	vld [tilespmem:s11+$0x1E0]  }
0x281: {  	v3 =	vand.u32 $0x7FFF, v3;
	v7 =	vld [tilespmem:s11+$0x260]  }
0x282: {  	v8 =	vld [tilespmem:s11+$0x2E0]  }
0x283: {  	v9 =	vld [tilespmem:s11+$0x360]  }
0x284: {  	[tilespmem:v5+s7+$0x0] =	vst.idx.add.s32.msk $0xffff, v1  }
0x285: {  	[tilespmem:v6+s7+$0x0] =	vst.idx.add.s32.msk $0xffff, v1;
	v4 =	vshrl.u32 v4, $0x10  }
0x286: {  	[tilespmem:v3+s7+$0x0] =	vst.idx.add.s32.msk $0xffff, v1;
	v3 =	vand.u32 $0x7FFF, v4;
	v4 =	vshrl.u32 v7, $0x10  }
0x287: {  	v5 =	vld [tilespmem:s11+$0x70];
	v4 =	vand.u32 $0x7FFF, v4;
	v6 =	vshrl.u32 v8, $0x10  }
0x288: {  	v7 =	vld [tilespmem:s11+$0xF0];
	v6 =	vand.u32 $0x7FFF, v6;
	v8 =	vshrl.u32 v9, $0x10  }
0x289: {  	v9 =	vld [tilespmem:s11+$0x170];
	v8 =	vand.u32 $0x7FFF, v8  }
0x28a: {  	[tilespmem:v2+s7+$0x0] =	vst.idx.add.s32.msk $0xffff, v1  }
0x28b: {  	[tilespmem:v3+s7+$0x0] =	vst.idx.add.s32.msk $0xffff, v1  }
.Ltmp2:
0x28c: {  	v2 =	vshrl.u32 v5, $0x10;
	[tilespmem:v4+s7+$0x0] =	vst.idx.add.s32.msk $0xffff, v1;
	(pc) =	sbr.rel @p0 .LBB2_6-.Ltmp2, $4  }
0x28d: {  	v2 =	vand.u32 $0x7FFF, v2;
	v3 =	vshrl.u32 v7, $0x10;
	[tilespmem:v6+s7+$0x0] =	vst.idx.add.s32.msk $0xffff, v1  }
0x28e: {  	v6 =	vand.u32 $0x7FFF, v3;
	v3 =	vshrl.u32 v9, $0x10;
	[tilespmem:v8+s7+$0x0] =	vst.idx.add.s32.msk $0xffff, v1  }
0x28f: {  	v7 =	vand.u32 $0x7FFF, v3;
	v3 =	vld [tilespmem:s11+$0x1F0]  }
0x290: {  	s11 =	sadd.s32 $0x400, s11;
	v4 =	vld [tilespmem:s9+$0x270]  }
0x291: {  	v5 =	vld [tilespmem:s9+$0x2F0]  }
0x292: {  	v8 =	vld [tilespmem:s9+$0x370];
	_ =	sdelay $0x1  }
0x293: {  	v3 =	vshrl.u32 v3, $0x10  }
0x294: {  	v3 =	vand.u32 $0x7FFF, v3;
	v4 =	vshrl.u32 v4, $0x10  }
0x295: {  	v4 =	vand.u32 $0x7FFF, v4;
	v5 =	vshrl.u32 v5, $0x10  }
0x296: {  	[tilespmem:v2+s7+$0x0] =	vst.idx.add.s32.msk $0xffff, v1;
	v63 =	vshrl.u32 v8, $0x10;
	v2 =	vand.u32 $0x7FFF, v5  }
0x297: {  	[tilespmem:v6+s7+$0x0] =	vst.idx.add.s32.msk $0xffff, v1;
	v5 =	vand.u32 $0x7FFF, v63  }
0x298: {  	[tilespmem:v7+s7+$0x0] =	vst.idx.add.s32.msk $0xffff, v1  }
0x299: {  	[tilespmem:v3+s7+$0x0] =	vst.idx.add.s32.msk $0xffff, v1  }
0x29a: {  	s8 =	sadd.s32 $0x1, s8;
	[tilespmem:v4+s7+$0x0] =	vst.idx.add.s32.msk $0xffff, v1  }
0x29b: {  	p0 =	sne.s32 s8, s5;
	[tilespmem:v2+s7+$0x0] =	vst.idx.add.s32.msk $0xffff, v1  }
.Ltmp3:
0x29c: {  	[tilespmem:v5+s7+$0x0] =	vst.idx.add.s32.msk $0xffff, v1;
	(pc) =	sbr.rel @p0 .LBB2_1-.Ltmp3, $4  }
0x29d: {  	[hbm4b:s4+s2] =	stream.linear.scatter [tilespmem:s7], [sflag:$0x1], $0x8000, $0x38;
	[tilespmem:$0x18000] =	vst v63  }
0x29e: {  	_ =	swait.ge [sflag:s6], $0x8000  }
0x29f: {  	[sflag:s6] =	ssyncset.done $0x0  }
0x2a0: {  	[sflag:s6] =	ssyncadd.s32 $0xFFFF8000  }
0x2a1: {  	_ =	sfence.sel $0x180000  }
0x2a2: {  	[bflag:$0x0] =	sbarrier.arrive $0xFFFF  }
0x2a3: {  	p0 =	sne.s32 s1, $0x0;
	_ =	strace $0x90000047  }
0x2a4: {  	s0 =	sadd.s32 @!p0 $0x100000, s0;
	[bflag:$0x2] =	sbarrier.arrive $0xFFFF  }
0x2a5: {  	[sflag:s0] =	ssyncadd.tile.s32 @!p0 $0x1;
	_ =	shalt  }
.Lfunc_end2:
_tile_overlayer_lowered:
.L_overlay_start_2:
0x2a6: {  	(tag) =	ssettag $0x2  }
0x2a7: {  	s0 =	rddreg [dreg:$0x0];
	s2 =	stileid.u32  }
0x2a8: {  	s1 =	rddreg [dreg:$0x1];
	p0 =	sne.s32 s2, $0x0  }
0x2a9: {  	s3 =	rddreg [dreg:$0x2];
	[bflag:$0x3] =	sbarrier.arrive $0xFFFF;
	s2 =	simm.s32 @!p0 $0x1C01  }
0x2aa: {  	[timem:s3], [sflag:s2] =	dma.local @!p0 [hbm:s0], s1  }
0x2ab: {  	s0 =	simm.s32 @!p0 $0x1  }
0x2ac: {  	_ =	swait.ge @!p0 [sflag:s0], s1  }
0x2ad: {  	s1 =	ssub.s32 @!p0 $0x0, s1;
	[sflag:s0] =	ssyncset.done @!p0 $0x0  }
0x2ae: {  	[sflag:s0] =	ssyncadd.s32 @!p0 s1  }
0x2af: {  	[bflag:$0x3] =	sbarrier.arrive $0xFFFF  }
0x2b0: {  	_ =	shalt  }

</sc_bundles>
